<compile_context>
chip_gen: v7x
topology: tpu7x:2x2x1
jax: 0.10.2.dev20260603
libtpu: 0.0.44.dev20260713+nightly
codegen_flags: <defaults>
</compile_context>

<pallas_src>
import functools

import jax
import jax.numpy as jnp
from jax import lax
from jax.experimental import pallas as pl
from jax.experimental.pallas import tpu as pltpu
from jax.experimental.pallas import tpu_sc as plsc

N_NODES = 10000
D = 128
NC = 2
NS = 16
NW = NC * NS
CHUNK = 128
N_PAD = 10240
ROWS_PER_TILE = N_PAD // NS


def _make_sc_scatter(K0, K1):
    mesh = plsc.VectorSubcoreMesh(core_axis_name="c", subcore_axis_name="s")
    KMAX = max(K0, K1)

    @functools.partial(
        pl.kernel,
        mesh=mesh,
        out_type=jax.ShapeDtypeStruct((NC, N_PAD, D), jnp.float32),
        scratch_types=[
            pltpu.VMEM((2, KMAX, CHUNK), jnp.int32),
            pltpu.VMEM((CHUNK, D), jnp.float32),
            pltpu.VMEM_SHARED((N_PAD, D), jnp.float32),
            pltpu.SemaphoreType.DMA,
        ],
    )
    def sc_scatter(h_hbm, idx_hbm, out_hbm, idx_v, gbuf, agg_sh, sem):
        c = lax.axis_index("c")
        s = lax.axis_index("s")
        kc = jnp.where(c == 0, K0, K1)

        zero16 = jnp.zeros((16,), jnp.float32)

        def zrow(r, carry):
            for cc in range(D // 16):
                gbuf[r, pl.ds(cc * 16, 16)] = zero16
            return carry

        lax.fori_loop(0, CHUNK, zrow, 0)
        base = s * ROWS_PER_TILE
        for j in range(ROWS_PER_TILE // CHUNK):
            pltpu.sync_copy(gbuf, agg_sh.at[pl.ds(base + j * CHUNK, CHUNK)])
        plsc.subcore_barrier()

        pltpu.sync_copy(idx_hbm.at[c, s], idx_v)

        def body(k, carry):
            pltpu.async_copy(h_hbm.at[idx_v.at[1, k]], gbuf, sem).wait()
            pltpu.sync_copy(gbuf, agg_sh.at[idx_v.at[0, k]], add=True)
            return carry

        lax.fori_loop(0, kc, body, 0)
        plsc.subcore_barrier()

        for j in range(ROWS_PER_TILE // CHUNK):
            pltpu.sync_copy(agg_sh.at[pl.ds(base + j * CHUNK, CHUNK)], gbuf)
            pltpu.sync_copy(gbuf, out_hbm.at[c, pl.ds(base + j * CHUNK, CHUNK)])

    return sc_scatter


def _bn_relu(y, g, b):
    m = jnp.mean(y, axis=0, keepdims=True)
    v = jnp.mean((y - m) ** 2, axis=0, keepdims=True)
    return jnp.maximum((y - m) * lax.rsqrt(v + 1e-5) * g + b, 0.0)


def _dense_layer_body(h_ref, a0_ref, a1_ref, W1_ref, b1_ref, g1_ref, bb1_ref,
                      W2_ref, b2_ref, g2_ref, bb2_ref, out_ref):
    t = h_ref[...] + a0_ref[...] + a1_ref[...]
    y = jnp.dot(t, W1_ref[...], preferred_element_type=jnp.float32) + b1_ref[...]
    y = _bn_relu(y, g1_ref[...], bb1_ref[...])
    z = jnp.dot(y, W2_ref[...], preferred_element_type=jnp.float32) + b2_ref[...]
    out_ref[...] = _bn_relu(z, g2_ref[...], bb2_ref[...])


def _dense_pred_body(h_ref, a0_ref, a1_ref, W1_ref, b1_ref, g1_ref, bb1_ref,
                     W2_ref, b2_ref, g2_ref, bb2_ref,
                     h0_ref, P0_ref, P1_ref, P2_ref, pb_ref, out_ref):
    t = h_ref[...] + a0_ref[...] + a1_ref[...]
    y = jnp.dot(t, W1_ref[...], preferred_element_type=jnp.float32) + b1_ref[...]
    y = _bn_relu(y, g1_ref[...], bb1_ref[...])
    z = jnp.dot(y, W2_ref[...], preferred_element_type=jnp.float32) + b2_ref[...]
    h2 = _bn_relu(z, g2_ref[...], bb2_ref[...])
    out_ref[...] = (jnp.dot(h0_ref[...], P0_ref[...], preferred_element_type=jnp.float32)
                    + jnp.dot(h_ref[...], P1_ref[...], preferred_element_type=jnp.float32)
                    + jnp.dot(h2, P2_ref[...], preferred_element_type=jnp.float32)
                    + pb_ref[...])


_dense_layer = pl.pallas_call(
    _dense_layer_body,
    out_shape=jax.ShapeDtypeStruct((N_NODES, D), jnp.float32),
)

_dense_pred = pl.pallas_call(
    _dense_pred_body,
    out_shape=jax.ShapeDtypeStruct((N_NODES, 32), jnp.float32),
)


def kernel(x, edge_index,
           mlp0_W1, mlp0_b1, mlp0_bn_g, mlp0_bn_b, mlp0_W2, mlp0_b2,
           mlp1_W1, mlp1_b1, mlp1_bn_g, mlp1_bn_b, mlp1_W2, mlp1_b2,
           bn0_g, bn0_b, bn1_g, bn1_b,
           pred0_W, pred0_b, pred1_W, pred1_b, pred2_W, pred2_b):
    row = edge_index[0]
    col = edge_index[1]
    E = row.shape[0]
    F0 = 0.62
    T = -(-E // CHUNK)
    K0 = max(1, round(T * F0 / NS))
    K1 = -(-(T - NS * K0) // NS)
    KMAX = max(K0, K1)
    E_pad = NS * (K0 + K1) * CHUNK
    pad = E_pad - E
    rowf = jnp.concatenate([row, jnp.full((pad,), N_PAD - 1, jnp.int32)])
    colf = jnp.concatenate([col, jnp.zeros((pad,), jnp.int32)])
    split = NS * K0 * CHUNK

    def _part(v, start, kcount):
        a = v[start:start + NS * kcount * CHUNK].reshape(NS, kcount, CHUNK)
        if kcount < KMAX:
            a = jnp.concatenate(
                [a, jnp.zeros((NS, KMAX - kcount, CHUNK), jnp.int32)], axis=1)
        return a

    idx_p = jnp.stack([
        jnp.stack([_part(rowf, 0, K0), _part(colf, 0, K0)], axis=1),
        jnp.stack([_part(rowf, split, K1), _part(colf, split, K1)], axis=1),
    ])

    sc_scatter = _make_sc_scatter(K0, K1)

    def r2(v):
        return v.reshape(1, -1)

    h0 = x
    parts0 = sc_scatter(h0, idx_p)
    h1 = _dense_layer(h0, parts0[0, :N_NODES], parts0[1, :N_NODES],
                      mlp0_W1, r2(mlp0_b1), r2(mlp0_bn_g), r2(mlp0_bn_b),
                      mlp0_W2, r2(mlp0_b2), r2(bn0_g), r2(bn0_b))
    parts1 = sc_scatter(h1, idx_p)
    out = _dense_pred(h1, parts1[0, :N_NODES], parts1[1, :N_NODES],
                      mlp1_W1, r2(mlp1_b1), r2(mlp1_bn_g), r2(mlp1_bn_b),
                      mlp1_W2, r2(mlp1_b2), r2(bn1_g), r2(bn1_b),
                      h0, pred0_W, pred1_W, pred2_W,
                      r2(pred0_b + pred1_b + pred2_b))
    return out

# --- scband reference (transcript-rebuilt; emitter-appended) ---
"""Pipeline reference for scband-bga-25357486916128 (READ-ONLY COPY).

The authoritative reference and input builder live on the scoring server;
editing this copy changes nothing except your own understanding.
"""

import jax, jax.numpy as jnp
import numpy as np

N, E, D, H, M = 10000, 320000, 128, 128, 32


def _bn(x, g, b, eps=1e-5):
    m = x.mean(axis=0)
    v = x.var(axis=0)
    return (x - m) / jnp.sqrt(v + eps) * g + b


def setup_inputs(seed: int = 0) -> dict:
    key = jax.random.key(seed)
    ks = jax.random.split(key, 24)
    inp = {}
    inp['x'] = jax.random.normal(ks[0], (N, D), dtype=jnp.float32)
    inp['edge_index'] = jax.random.randint(ks[1], (2, E), 0, N, dtype=jnp.int32)
    s = 0.05
    # MLP 0: input_dim -> hidden -> hidden, with internal BatchNorm
    inp['mlp0_W1'] = jax.random.normal(ks[2], (D, H), dtype=jnp.float32) * s
    inp['mlp0_b1'] = jnp.zeros((H,), dtype=jnp.float32)
    inp['mlp0_bn_g'] = jnp.ones((H,), dtype=jnp.float32)
    inp['mlp0_bn_b'] = jnp.zeros((H,), dtype=jnp.float32)
    inp['mlp0_W2'] = jax.random.normal(ks[3], (H, H), dtype=jnp.float32) * s
    inp['mlp0_b2'] = jnp.zeros((H,), dtype=jnp.float32)
    # MLP 1: hidden -> hidden -> hidden
    inp['mlp1_W1'] = jax.random.normal(ks[4], (H, H), dtype=jnp.float32) * s
    inp['mlp1_b1'] = jnp.zeros((H,), dtype=jnp.float32)
    inp['mlp1_bn_g'] = jnp.ones((H,), dtype=jnp.float32)
    inp['mlp1_bn_b'] = jnp.zeros((H,), dtype=jnp.float32)
    inp['mlp1_W2'] = jax.random.normal(ks[5], (H, H), dtype=jnp.float32) * s
    inp['mlp1_b2'] = jnp.zeros((H,), dtype=jnp.float32)
    # outer BatchNorms per GPN layer
    inp['bn0_g'] = jnp.ones((H,), dtype=jnp.float32)
    inp['bn0_b'] = jnp.zeros((H,), dtype=jnp.float32)
    inp['bn1_g'] = jnp.ones((H,), dtype=jnp.float32)
    inp['bn1_b'] = jnp.zeros((H,), dtype=jnp.float32)
    # jumping-knowledge style prediction heads (middle_dim = 32)
    inp['pred0_W'] = jax.random.normal(ks[6], (D, M), dtype=jnp.float32) * s
    inp['pred0_b'] = jnp.zeros((M,), dtype=jnp.float32)
    inp['pred1_W'] = jax.random.normal(ks[7], (H, M), dtype=jnp.float32) * s
    inp['pred1_b'] = jnp.zeros((M,), dtype=jnp.float32)
    inp['pred2_W'] = jax.random.normal(ks[8], (H, M), dtype=jnp.float32) * s
    inp['pred2_b'] = jnp.zeros((M,), dtype=jnp.float32)
    return inp


def _gan_layer(h, row, col, W1, b1, bn_g, bn_b, W2, b2, obn_g, obn_b):
    # GANConv: scatter_add(x[col], row) ; out = x + out ; out = MLP(out)
    agg = jnp.zeros_like(h).at[row].add(h[col])
    out = h + agg
    out = jax.nn.relu(_bn(out @ W1 + b1, bn_g, bn_b))
    out = out @ W2 + b2
    # BGA outer: relu(batch_norm(gpn(h)))
    out = jax.nn.relu(_bn(out, obn_g, obn_b))
    return out


def reference(x, edge_index,
              mlp0_W1, mlp0_b1, mlp0_bn_g, mlp0_bn_b, mlp0_W2, mlp0_b2,
              mlp1_W1, mlp1_b1, mlp1_bn_g, mlp1_bn_b, mlp1_W2, mlp1_b2,
              bn0_g, bn0_b, bn1_g, bn1_b,
              pred0_W, pred0_b, pred1_W, pred1_b, pred2_W, pred2_b):
    row = edge_index[0]
    col = edge_index[1]
    h0 = x
    h1 = _gan_layer(h0, row, col, mlp0_W1, mlp0_b1, mlp0_bn_g, mlp0_bn_b, mlp0_W2, mlp0_b2, bn0_g, bn0_b)
    h2 = _gan_layer(h1, row, col, mlp1_W1, mlp1_b1, mlp1_bn_g, mlp1_bn_b, mlp1_W2, mlp1_b2, bn1_g, bn1_b)
    out = (h0 @ pred0_W + pred0_b) + (h1 @ pred1_W + pred1_b) + (h2 @ pred2_W + pred2_b)
    return out

if __name__ == "__main__":
    import jax
    _d = setup_inputs()
    print(jax.jit(kernel)(*tuple(_d.values())))

</pallas_src>

<mosaic_0001>
#map = affine_map<(d0, d1) -> (0, 0)>
#map1 = affine_map<(d0, d1) -> (0, 0, 0, 0, 0)>
#map2 = affine_map<(d0, d1) -> (0, 0, 0)>
module attributes {stable_mosaic.version = 14 : i64} {
  func.func @sc_scatter(%arg0: i32, %arg1: i32, %arg2: memref<10000x128xf32, #tpu.memory_space<hbm>>, %arg3: memref<2x16x2x97x128xi32, #tpu.memory_space<hbm>>, %arg4: memref<2x10240x128xf32, #tpu.memory_space<hbm>>, %arg5: memref<2x97x128xi32, #tpu.memory_space<vmem>>, %arg6: memref<128x128xf32, #tpu.memory_space<vmem>>, %arg7: memref<10240x128xf32, #tpu.memory_space<vmem_shared>>, %arg8: memref<!tpu.dma_semaphore, #tpu.memory_space<semaphore_mem>>) attributes {dimension_semantics = [#tpu.dimension_semantics<core_parallel>, #tpu.dimension_semantics<subcore_parallel>], iteration_bounds = array<i64: 2, 16>, scalar_prefetch = 0 : i64, scratch_operands = 4 : i64, tpu.core_type = #tpu.core_type<sc_vector_subcore>, window_params = [{transform_indices = #map}, {transform_indices = #map1}, {transform_indices = #map2}]} {
    %eq3A = arith.constant 0 : i32
    %eq3A_0 = arith.cmpi eq, %arg0, %eq3A : i32
    %jit3A = arith.constant 97 : i32
    %jit3A_1 = arith.constant 60 : i32
    %select_n3A = arith.select %eq3A_0, %jit3A, %jit3A_1 : i32
    %broadcast_in_dim3A = arith.constant 0.000000e+00 : f32
    %broadcast_in_dim3A_2 = vector.broadcast %broadcast_in_dim3A : f32 to vector<16xf32>
    %scan3A = arith.constant 0 : i32
    %scan3A_3 = arith.constant 0 : i32
    %scan3A_4 = arith.constant 128 : i32
    %scan3A_5 = arith.addi %scan3A_3, %scan3A_4 : i32
    %scan3A_6 = arith.constant 1 : i32
    scf.for %scan3A_48 = %scan3A_3 to %scan3A_5 step %scan3A_6  : i32 {
      %swap3A = arith.index_cast %scan3A_48 : i32 to index
      %swap3A_49 = arith.constant 0 : index
      %swap3A_50 = tpu.vector_load %arg6[%swap3A, %swap3A_49] {strides = array<i32>} : memref<128x128xf32, #tpu.memory_space<vmem>>, vector<1x16xf32>,
      %swap3A_51 = vector.shape_cast %swap3A_50 : vector<1x16xf32> to vector<16xf32>
      %swap3A_52 = vector.shape_cast %broadcast_in_dim3A_2 : vector<16xf32> to vector<1x16xf32>
      tpu.vector_store %arg6[%swap3A, %swap3A_49], %swap3A_52 {strides = array<i32>} : memref<128x128xf32, #tpu.memory_space<vmem>>, vector<1x16xf32>,
      %swap3A_53 = arith.index_cast %scan3A_48 : i32 to index
      %swap3A_54 = arith.constant 16 : index
      %swap3A_55 = tpu.vector_load %arg6[%swap3A_53, %swap3A_54] {strides = array<i32>} : memref<128x128xf32, #tpu.memory_space<vmem>>, vector<1x16xf32>,
      %swap3A_56 = vector.shape_cast %swap3A_55 : vector<1x16xf32> to vector<16xf32>
      %swap3A_57 = vector.shape_cast %broadcast_in_dim3A_2 : vector<16xf32> to vector<1x16xf32>
      tpu.vector_store %arg6[%swap3A_53, %swap3A_54], %swap3A_57 {strides = array<i32>} : memref<128x128xf32, #tpu.memory_space<vmem>>, vector<1x16xf32>,
      %swap3A_58 = arith.index_cast %scan3A_48 : i32 to index
      %swap3A_59 = arith.constant 32 : index
      %swap3A_60 = tpu.vector_load %arg6[%swap3A_58, %swap3A_59] {strides = array<i32>} : memref<128x128xf32, #tpu.memory_space<vmem>>, vector<1x16xf32>,
      %swap3A_61 = vector.shape_cast %swap3A_60 : vector<1x16xf32> to vector<16xf32>
      %swap3A_62 = vector.shape_cast %broadcast_in_dim3A_2 : vector<16xf32> to vector<1x16xf32>
      tpu.vector_store %arg6[%swap3A_58, %swap3A_59], %swap3A_62 {strides = array<i32>} : memref<128x128xf32, #tpu.memory_space<vmem>>, vector<1x16xf32>,
      %swap3A_63 = arith.index_cast %scan3A_48 : i32 to index
      %swap3A_64 = arith.constant 48 : index
      %swap3A_65 = tpu.vector_load %arg6[%swap3A_63, %swap3A_64] {strides = array<i32>} : memref<128x128xf32, #tpu.memory_space<vmem>>, vector<1x16xf32>,
      %swap3A_66 = vector.shape_cast %swap3A_65 : vector<1x16xf32> to vector<16xf32>
      %swap3A_67 = vector.shape_cast %broadcast_in_dim3A_2 : vector<16xf32> to vector<1x16xf32>
      tpu.vector_store %arg6[%swap3A_63, %swap3A_64], %swap3A_67 {strides = array<i32>} : memref<128x128xf32, #tpu.memory_space<vmem>>, vector<1x16xf32>,
      %swap3A_68 = arith.index_cast %scan3A_48 : i32 to index
      %swap3A_69 = arith.constant 64 : index
      %swap3A_70 = tpu.vector_load %arg6[%swap3A_68, %swap3A_69] {strides = array<i32>} : memref<128x128xf32, #tpu.memory_space<vmem>>, vector<1x16xf32>,
      %swap3A_71 = vector.shape_cast %swap3A_70 : vector<1x16xf32> to vector<16xf32>
      %swap3A_72 = vector.shape_cast %broadcast_in_dim3A_2 : vector<16xf32> to vector<1x16xf32>
      tpu.vector_store %arg6[%swap3A_68, %swap3A_69], %swap3A_72 {strides = array<i32>} : memref<128x128xf32, #tpu.memory_space<vmem>>, vector<1x16xf32>,
      %swap3A_73 = arith.index_cast %scan3A_48 : i32 to index
      %swap3A_74 = arith.constant 80 : index
      %swap3A_75 = tpu.vector_load %arg6[%swap3A_73, %swap3A_74] {strides = array<i32>} : memref<128x128xf32, #tpu.memory_space<vmem>>, vector<1x16xf32>,
      %swap3A_76 = vector.shape_cast %swap3A_75 : vector<1x16xf32> to vector<16xf32>
      %swap3A_77 = vector.shape_cast %broadcast_in_dim3A_2 : vector<16xf32> to vector<1x16xf32>
      tpu.vector_store %arg6[%swap3A_73, %swap3A_74], %swap3A_77 {strides = array<i32>} : memref<128x128xf32, #tpu.memory_space<vmem>>, vector<1x16xf32>,
      %swap3A_78 = arith.index_cast %scan3A_48 : i32 to index
      %swap3A_79 = arith.constant 96 : index
      %swap3A_80 = tpu.vector_load %arg6[%swap3A_78, %swap3A_79] {strides = array<i32>} : memref<128x128xf32, #tpu.memory_space<vmem>>, vector<1x16xf32>,
      %swap3A_81 = vector.shape_cast %swap3A_80 : vector<1x16xf32> to vector<16xf32>
      %swap3A_82 = vector.shape_cast %broadcast_in_dim3A_2 : vector<16xf32> to vector<1x16xf32>
      tpu.vector_store %arg6[%swap3A_78, %swap3A_79], %swap3A_82 {strides = array<i32>} : memref<128x128xf32, #tpu.memory_space<vmem>>, vector<1x16xf32>,
      %swap3A_83 = arith.index_cast %scan3A_48 : i32 to index
      %swap3A_84 = arith.constant 112 : index
      %swap3A_85 = tpu.vector_load %arg6[%swap3A_83, %swap3A_84] {strides = array<i32>} : memref<128x128xf32, #tpu.memory_space<vmem>>, vector<1x16xf32>,
      %swap3A_86 = vector.shape_cast %swap3A_85 : vector<1x16xf32> to vector<16xf32>
      %swap3A_87 = vector.shape_cast %broadcast_in_dim3A_2 : vector<16xf32> to vector<1x16xf32>
      tpu.vector_store %arg6[%swap3A_83, %swap3A_84], %swap3A_87 {strides = array<i32>} : memref<128x128xf32, #tpu.memory_space<vmem>>, vector<1x16xf32>,
    }
    %scan3A_7 = arith.constant 128 : i32
    %mul3A = arith.constant 640 : i32
    %mul3A_8 = arith.muli %arg1, %mul3A : i32
    %add3A = arith.constant 0 : i32
    %add3A_9 = arith.addi %mul3A_8, %add3A : i32
    "tpu.region"() ({
      %run_scoped3A = tpu.sem_alloc : memref<!tpu.dma_semaphore, #tpu.memory_space<semaphore_mem>>
      %dma_start3A = arith.constant 0 : i32
      %dma_start3A_48 = tpu.memref_slice %arg7[%add3A_9, %dma_start3A] : memref<10240x128xf32, #tpu.memory_space<vmem_shared>> -> memref<128x128xf32, #tpu.memory_space<vmem_shared>>
      %dma_start3A_49 = arith.constant 0 : i32
      %dma_start3A_50 = tpu.memref_slice %arg7[%add3A_9, %dma_start3A_49] : memref<10240x128xf32, #tpu.memory_space<vmem_shared>> -> memref<128x128xf32, #tpu.memory_space<vmem_shared>>
      tpu.enqueue_dma source(%arg6 : memref<128x128xf32, #tpu.memory_space<vmem>>) target(%dma_start3A_50 : memref<128x128xf32, #tpu.memory_space<vmem_shared>>) target_semaphore(%run_scoped3A : memref<!tpu.dma_semaphore, #tpu.memory_space<semaphore_mem>>)
      %dma_wait3A = arith.constant 0 : i32
      %dma_wait3A_51 = tpu.memref_slice %arg7[%add3A_9, %dma_wait3A] : memref<10240x128xf32, #tpu.memory_space<vmem_shared>> -> memref<128x128xf32, #tpu.memory_space<vmem_shared>>
      %dma_wait3A_52 = arith.constant 0 : i32
      %dma_wait3A_53 = tpu.memref_slice %arg7[%add3A_9, %dma_wait3A_52] : memref<10240x128xf32, #tpu.memory_space<vmem_shared>> -> memref<128x128xf32, #tpu.memory_space<vmem_shared>>
      tpu.wait_dma2 semaphore(%run_scoped3A : memref<!tpu.dma_semaphore, #tpu.memory_space<semaphore_mem>>) src(%arg6 : memref<128x128xf32, #tpu.memory_space<vmem>>) dst(%dma_wait3A_53 : memref<128x128xf32, #tpu.memory_space<vmem_shared>>)
      tpu.yield
    }) : () -> ()
    %add3A_10 = arith.constant 128 : i32
    %add3A_11 = arith.addi %mul3A_8, %add3A_10 : i32
    "tpu.region"() ({
      %run_scoped3A = tpu.sem_alloc : memref<!tpu.dma_semaphore, #tpu.memory_space<semaphore_mem>>
      %dma_start3A = arith.constant 0 : i32
      %dma_start3A_48 = tpu.memref_slice %arg7[%add3A_11, %dma_start3A] : memref<10240x128xf32, #tpu.memory_space<vmem_shared>> -> memref<128x128xf32, #tpu.memory_space<vmem_shared>>
      %dma_start3A_49 = arith.constant 0 : i32
      %dma_start3A_50 = tpu.memref_slice %arg7[%add3A_11, %dma_start3A_49] : memref<10240x128xf32, #tpu.memory_space<vmem_shared>> -> memref<128x128xf32, #tpu.memory_space<vmem_shared>>
      tpu.enqueue_dma source(%arg6 : memref<128x128xf32, #tpu.memory_space<vmem>>) target(%dma_start3A_50 : memref<128x128xf32, #tpu.memory_space<vmem_shared>>) target_semaphore(%run_scoped3A : memref<!tpu.dma_semaphore, #tpu.memory_space<semaphore_mem>>)
      %dma_wait3A = arith.constant 0 : i32
      %dma_wait3A_51 = tpu.memref_slice %arg7[%add3A_11, %dma_wait3A] : memref<10240x128xf32, #tpu.memory_space<vmem_shared>> -> memref<128x128xf32, #tpu.memory_space<vmem_shared>>
      %dma_wait3A_52 = arith.constant 0 : i32
      %dma_wait3A_53 = tpu.memref_slice %arg7[%add3A_11, %dma_wait3A_52] : memref<10240x128xf32, #tpu.memory_space<vmem_shared>> -> memref<128x128xf32, #tpu.memory_space<vmem_shared>>
      tpu.wait_dma2 semaphore(%run_scoped3A : memref<!tpu.dma_semaphore, #tpu.memory_space<semaphore_mem>>) src(%arg6 : memref<128x128xf32, #tpu.memory_space<vmem>>) dst(%dma_wait3A_53 : memref<128x128xf32, #tpu.memory_space<vmem_shared>>)
      tpu.yield
    }) : () -> ()
    %add3A_12 = arith.constant 256 : i32
    %add3A_13 = arith.addi %mul3A_8, %add3A_12 : i32
    "tpu.region"() ({
      %run_scoped3A = tpu.sem_alloc : memref<!tpu.dma_semaphore, #tpu.memory_space<semaphore_mem>>
      %dma_start3A = arith.constant 0 : i32
      %dma_start3A_48 = tpu.memref_slice %arg7[%add3A_13, %dma_start3A] : memref<10240x128xf32, #tpu.memory_space<vmem_shared>> -> memref<128x128xf32, #tpu.memory_space<vmem_shared>>
      %dma_start3A_49 = arith.constant 0 : i32
      %dma_start3A_50 = tpu.memref_slice %arg7[%add3A_13, %dma_start3A_49] : memref<10240x128xf32, #tpu.memory_space<vmem_shared>> -> memref<128x128xf32, #tpu.memory_space<vmem_shared>>
      tpu.enqueue_dma source(%arg6 : memref<128x128xf32, #tpu.memory_space<vmem>>) target(%dma_start3A_50 : memref<128x128xf32, #tpu.memory_space<vmem_shared>>) target_semaphore(%run_scoped3A : memref<!tpu.dma_semaphore, #tpu.memory_space<semaphore_mem>>)
      %dma_wait3A = arith.constant 0 : i32
      %dma_wait3A_51 = tpu.memref_slice %arg7[%add3A_13, %dma_wait3A] : memref<10240x128xf32, #tpu.memory_space<vmem_shared>> -> memref<128x128xf32, #tpu.memory_space<vmem_shared>>
      %dma_wait3A_52 = arith.constant 0 : i32
      %dma_wait3A_53 = tpu.memref_slice %arg7[%add3A_13, %dma_wait3A_52] : memref<10240x128xf32, #tpu.memory_space<vmem_shared>> -> memref<128x128xf32, #tpu.memory_space<vmem_shared>>
      tpu.wait_dma2 semaphore(%run_scoped3A : memref<!tpu.dma_semaphore, #tpu.memory_space<semaphore_mem>>) src(%arg6 : memref<128x128xf32, #tpu.memory_space<vmem>>) dst(%dma_wait3A_53 : memref<128x128xf32, #tpu.memory_space<vmem_shared>>)
      tpu.yield
    }) : () -> ()
    %add3A_14 = arith.constant 384 : i32
    %add3A_15 = arith.addi %mul3A_8, %add3A_14 : i32
    "tpu.region"() ({
      %run_scoped3A = tpu.sem_alloc : memref<!tpu.dma_semaphore, #tpu.memory_space<semaphore_mem>>
      %dma_start3A = arith.constant 0 : i32
      %dma_start3A_48 = tpu.memref_slice %arg7[%add3A_15, %dma_start3A] : memref<10240x128xf32, #tpu.memory_space<vmem_shared>> -> memref<128x128xf32, #tpu.memory_space<vmem_shared>>
      %dma_start3A_49 = arith.constant 0 : i32
      %dma_start3A_50 = tpu.memref_slice %arg7[%add3A_15, %dma_start3A_49] : memref<10240x128xf32, #tpu.memory_space<vmem_shared>> -> memref<128x128xf32, #tpu.memory_space<vmem_shared>>
      tpu.enqueue_dma source(%arg6 : memref<128x128xf32, #tpu.memory_space<vmem>>) target(%dma_start3A_50 : memref<128x128xf32, #tpu.memory_space<vmem_shared>>) target_semaphore(%run_scoped3A : memref<!tpu.dma_semaphore, #tpu.memory_space<semaphore_mem>>)
      %dma_wait3A = arith.constant 0 : i32
      %dma_wait3A_51 = tpu.memref_slice %arg7[%add3A_15, %dma_wait3A] : memref<10240x128xf32, #tpu.memory_space<vmem_shared>> -> memref<128x128xf32, #tpu.memory_space<vmem_shared>>
      %dma_wait3A_52 = arith.constant 0 : i32
      %dma_wait3A_53 = tpu.memref_slice %arg7[%add3A_15, %dma_wait3A_52] : memref<10240x128xf32, #tpu.memory_space<vmem_shared>> -> memref<128x128xf32, #tpu.memory_space<vmem_shared>>
      tpu.wait_dma2 semaphore(%run_scoped3A : memref<!tpu.dma_semaphore, #tpu.memory_space<semaphore_mem>>) src(%arg6 : memref<128x128xf32, #tpu.memory_space<vmem>>) dst(%dma_wait3A_53 : memref<128x128xf32, #tpu.memory_space<vmem_shared>>)
      tpu.yield
    }) : () -> ()
    %add3A_16 = arith.constant 512 : i32
    %add3A_17 = arith.addi %mul3A_8, %add3A_16 : i32
    "tpu.region"() ({
      %run_scoped3A = tpu.sem_alloc : memref<!tpu.dma_semaphore, #tpu.memory_space<semaphore_mem>>
      %dma_start3A = arith.constant 0 : i32
      %dma_start3A_48 = tpu.memref_slice %arg7[%add3A_17, %dma_start3A] : memref<10240x128xf32, #tpu.memory_space<vmem_shared>> -> memref<128x128xf32, #tpu.memory_space<vmem_shared>>
      %dma_start3A_49 = arith.constant 0 : i32
      %dma_start3A_50 = tpu.memref_slice %arg7[%add3A_17, %dma_start3A_49] : memref<10240x128xf32, #tpu.memory_space<vmem_shared>> -> memref<128x128xf32, #tpu.memory_space<vmem_shared>>
      tpu.enqueue_dma source(%arg6 : memref<128x128xf32, #tpu.memory_space<vmem>>) target(%dma_start3A_50 : memref<128x128xf32, #tpu.memory_space<vmem_shared>>) target_semaphore(%run_scoped3A : memref<!tpu.dma_semaphore, #tpu.memory_space<semaphore_mem>>)
      %dma_wait3A = arith.constant 0 : i32
      %dma_wait3A_51 = tpu.memref_slice %arg7[%add3A_17, %dma_wait3A] : memref<10240x128xf32, #tpu.memory_space<vmem_shared>> -> memref<128x128xf32, #tpu.memory_space<vmem_shared>>
      %dma_wait3A_52 = arith.constant 0 : i32
      %dma_wait3A_53 = tpu.memref_slice %arg7[%add3A_17, %dma_wait3A_52] : memref<10240x128xf32, #tpu.memory_space<vmem_shared>> -> memref<128x128xf32, #tpu.memory_space<vmem_shared>>
      tpu.wait_dma2 semaphore(%run_scoped3A : memref<!tpu.dma_semaphore, #tpu.memory_space<semaphore_mem>>) src(%arg6 : memref<128x128xf32, #tpu.memory_space<vmem>>) dst(%dma_wait3A_53 : memref<128x128xf32, #tpu.memory_space<vmem_shared>>)
      tpu.yield
    }) : () -> ()
    %barrier3A = arith.constant 0 : index
    tpu.barrier barrier_id(%barrier3A)
    "tpu.region"() ({
      %run_scoped3A = tpu.sem_alloc : memref<!tpu.dma_semaphore, #tpu.memory_space<semaphore_mem>>
      %dma_start3A = arith.constant 0 : i32
      %dma_start3A_48 = arith.constant 0 : i32
      %dma_start3A_49 = arith.constant 0 : i32
      %dma_start3A_50 = tpu.memref_slice %arg3[%arg0, %arg1, %dma_start3A, %dma_start3A_48, %dma_start3A_49] : memref<2x16x2x97x128xi32, #tpu.memory_space<hbm>> -> memref<1x1x2x97x128xi32, #tpu.memory_space<hbm>>
      %dma_start3A_51 = tpu.memref_squeeze %dma_start3A_50 : memref<1x1x2x97x128xi32, #tpu.memory_space<hbm>> -> memref<2x97x128xi32, #tpu.memory_space<hbm>>
      %dma_start3A_52 = arith.constant 0 : i32
      %dma_start3A_53 = arith.constant 0 : i32
      %dma_start3A_54 = arith.constant 0 : i32
      %dma_start3A_55 = tpu.memref_slice %arg3[%arg0, %arg1, %dma_start3A_52, %dma_start3A_53, %dma_start3A_54] : memref<2x16x2x97x128xi32, #tpu.memory_space<hbm>> -> memref<1x1x2x97x128xi32, #tpu.memory_space<hbm>>
      %dma_start3A_56 = tpu.memref_squeeze %dma_start3A_55 : memref<1x1x2x97x128xi32, #tpu.memory_space<hbm>> -> memref<2x97x128xi32, #tpu.memory_space<hbm>>
      tpu.enqueue_dma source(%dma_start3A_56 : memref<2x97x128xi32, #tpu.memory_space<hbm>>) target(%arg5 : memref<2x97x128xi32, #tpu.memory_space<vmem>>) target_semaphore(%run_scoped3A : memref<!tpu.dma_semaphore, #tpu.memory_space<semaphore_mem>>)
      %dma_wait3A = arith.constant 0 : i32
      %dma_wait3A_57 = arith.constant 0 : i32
      %dma_wait3A_58 = arith.constant 0 : i32
      %dma_wait3A_59 = tpu.memref_slice %arg3[%arg0, %arg1, %dma_wait3A, %dma_wait3A_57, %dma_wait3A_58] : memref<2x16x2x97x128xi32, #tpu.memory_space<hbm>> -> memref<1x1x2x97x128xi32, #tpu.memory_space<hbm>>
      %dma_wait3A_60 = tpu.memref_squeeze %dma_wait3A_59 : memref<1x1x2x97x128xi32, #tpu.memory_space<hbm>> -> memref<2x97x128xi32, #tpu.memory_space<hbm>>
      %dma_wait3A_61 = arith.constant 0 : i32
      %dma_wait3A_62 = arith.constant 0 : i32
      %dma_wait3A_63 = arith.constant 0 : i32
      %dma_wait3A_64 = tpu.memref_slice %arg3[%arg0, %arg1, %dma_wait3A_61, %dma_wait3A_62, %dma_wait3A_63] : memref<2x16x2x97x128xi32, #tpu.memory_space<hbm>> -> memref<1x1x2x97x128xi32, #tpu.memory_space<hbm>>
      %dma_wait3A_65 = tpu.memref_squeeze %dma_wait3A_64 : memref<1x1x2x97x128xi32, #tpu.memory_space<hbm>> -> memref<2x97x128xi32, #tpu.memory_space<hbm>>
      tpu.wait_dma2 semaphore(%run_scoped3A : memref<!tpu.dma_semaphore, #tpu.memory_space<semaphore_mem>>) src(%dma_wait3A_65 : memref<2x97x128xi32, #tpu.memory_space<hbm>>) dst(%arg5 : memref<2x97x128xi32, #tpu.memory_space<vmem>>)
      tpu.yield
    }) : () -> ()
    %while3A = arith.constant 0 : i32
    %while3A_18 = arith.constant 0 : i32
    %while3A_19 = arith.subi %select_n3A, %while3A_18 : i32
    %while3A_20 = arith.addi %while3A_18, %while3A_19 : i32
    %while3A_21 = arith.constant 1 : i32
    %while3A_22 = arith.divsi %while3A_19, %while3A_21 : i32
    %while3A_23 = arith.muli %while3A_22, %while3A_21 : i32
    %while3A_24 = arith.addi %while3A_18, %while3A_23 : i32
    %while3A_25 = arith.constant 1 : i32
    scf.for %while3A_48 = %while3A_18 to %while3A_24 step %while3A_25  : i32 {
      %dma_start3A = arith.constant 1 : i32
      %dma_start3A_49 = arith.constant 0 : i32
      %dma_start3A_50 = tpu.memref_slice %arg5[%dma_start3A, %while3A_48, %dma_start3A_49] : memref<2x97x128xi32, #tpu.memory_space<vmem>> -> memref<1x1x128xi32, #tpu.memory_space<vmem>>
      %dma_start3A_51 = tpu.memref_squeeze %dma_start3A_50 : memref<1x1x128xi32, #tpu.memory_space<vmem>> -> memref<128xi32, #tpu.memory_space<vmem>>
      %dma_start3A_52 = arith.constant 0 : i32
      %dma_start3A_53 = arith.constant 0 : i32
      %dma_start3A_54 = tpu.memref_slice %arg2[%dma_start3A_52, %dma_start3A_53] : memref<10000x128xf32, #tpu.memory_space<hbm>> -> memref<10000x128xf32, #tpu.memory_space<hbm>>
      tpu.enqueue_indirect_dma source(%dma_start3A_54 : memref<10000x128xf32, #tpu.memory_space<hbm>>) target(%arg6 : memref<128x128xf32, #tpu.memory_space<vmem>>) offsets(%dma_start3A_51 : memref<128xi32, #tpu.memory_space<vmem>>) semaphore(%arg8 : memref<!tpu.dma_semaphore, #tpu.memory_space<semaphore_mem>>)
      %dma_wait3A = arith.constant 1 : i32
      %dma_wait3A_55 = arith.constant 0 : i32
      %dma_wait3A_56 = tpu.memref_slice %arg5[%dma_wait3A, %while3A_48, %dma_wait3A_55] : memref<2x97x128xi32, #tpu.memory_space<vmem>> -> memref<1x1x128xi32, #tpu.memory_space<vmem>>
      %dma_wait3A_57 = tpu.memref_squeeze %dma_wait3A_56 : memref<1x1x128xi32, #tpu.memory_space<vmem>> -> memref<128xi32, #tpu.memory_space<vmem>>
      %dma_wait3A_58 = arith.constant 0 : i32
      %dma_wait3A_59 = arith.constant 0 : i32
      %dma_wait3A_60 = tpu.memref_slice %arg2[%dma_wait3A_58, %dma_wait3A_59] : memref<10000x128xf32, #tpu.memory_space<hbm>> -> memref<10000x128xf32, #tpu.memory_space<hbm>>
      tpu.wait_indirect_dma semaphore(%arg8 : memref<!tpu.dma_semaphore, #tpu.memory_space<semaphore_mem>>) src(%dma_wait3A_60 : memref<10000x128xf32, #tpu.memory_space<hbm>>) dst(%arg6 : memref<128x128xf32, #tpu.memory_space<vmem>>)
      %run_scoped3A = arith.constant 0 : i32
      "tpu.region"() ({
        %run_scoped3A_61 = tpu.sem_alloc : memref<!tpu.dma_semaphore, #tpu.memory_space<semaphore_mem>>
        %dma_start3A_62 = arith.constant 0 : i32
        %dma_start3A_63 = tpu.memref_slice %arg5[%run_scoped3A, %while3A_48, %dma_start3A_62] : memref<2x97x128xi32, #tpu.memory_space<vmem>> -> memref<1x1x128xi32, #tpu.memory_space<vmem>>
        %dma_start3A_64 = tpu.memref_squeeze %dma_start3A_63 : memref<1x1x128xi32, #tpu.memory_space<vmem>> -> memref<128xi32, #tpu.memory_space<vmem>>
        %dma_start3A_65 = arith.constant 0 : i32
        %dma_start3A_66 = arith.constant 0 : i32
        %dma_start3A_67 = tpu.memref_slice %arg7[%dma_start3A_65, %dma_start3A_66] : memref<10240x128xf32, #tpu.memory_space<vmem_shared>> -> memref<10240x128xf32, #tpu.memory_space<vmem_shared>>
        tpu.enqueue_indirect_dma source(%arg6 : memref<128x128xf32, #tpu.memory_space<vmem>>) target(%dma_start3A_67 : memref<10240x128xf32, #tpu.memory_space<vmem_shared>>) offsets(%dma_start3A_64 : memref<128xi32, #tpu.memory_space<vmem>>) semaphore(%run_scoped3A_61 : memref<!tpu.dma_semaphore, #tpu.memory_space<semaphore_mem>>) {add = true}
        %dma_wait3A_68 = arith.constant 0 : i32
        %dma_wait3A_69 = tpu.memref_slice %arg5[%run_scoped3A, %while3A_48, %dma_wait3A_68] : memref<2x97x128xi32, #tpu.memory_space<vmem>> -> memref<1x1x128xi32, #tpu.memory_space<vmem>>
        %dma_wait3A_70 = tpu.memref_squeeze %dma_wait3A_69 : memref<1x1x128xi32, #tpu.memory_space<vmem>> -> memref<128xi32, #tpu.memory_space<vmem>>
        %dma_wait3A_71 = arith.constant 0 : i32
        %dma_wait3A_72 = arith.constant 0 : i32
        %dma_wait3A_73 = tpu.memref_slice %arg7[%dma_wait3A_71, %dma_wait3A_72] : memref<10240x128xf32, #tpu.memory_space<vmem_shared>> -> memref<10240x128xf32, #tpu.memory_space<vmem_shared>>
        tpu.wait_indirect_dma semaphore(%run_scoped3A_61 : memref<!tpu.dma_semaphore, #tpu.memory_space<semaphore_mem>>) src(%arg6 : memref<128x128xf32, #tpu.memory_space<vmem>>) dst(%dma_wait3A_73 : memref<10240x128xf32, #tpu.memory_space<vmem_shared>>)
        tpu.yield
      }) : () -> ()
    }
    %while3A_26 = arith.constant 1 : i32
    scf.for %while3A_48 = %while3A_24 to %while3A_20 step %while3A_26  : i32 {
      %dma_start3A = arith.constant 1 : i32
      %dma_start3A_49 = arith.constant 0 : i32
      %dma_start3A_50 = tpu.memref_slice %arg5[%dma_start3A, %while3A_48, %dma_start3A_49] : memref<2x97x128xi32, #tpu.memory_space<vmem>> -> memref<1x1x128xi32, #tpu.memory_space<vmem>>
      %dma_start3A_51 = tpu.memref_squeeze %dma_start3A_50 : memref<1x1x128xi32, #tpu.memory_space<vmem>> -> memref<128xi32, #tpu.memory_space<vmem>>
      %dma_start3A_52 = arith.constant 0 : i32
      %dma_start3A_53 = arith.constant 0 : i32
      %dma_start3A_54 = tpu.memref_slice %arg2[%dma_start3A_52, %dma_start3A_53] : memref<10000x128xf32, #tpu.memory_space<hbm>> -> memref<10000x128xf32, #tpu.memory_space<hbm>>
      tpu.enqueue_indirect_dma source(%dma_start3A_54 : memref<10000x128xf32, #tpu.memory_space<hbm>>) target(%arg6 : memref<128x128xf32, #tpu.memory_space<vmem>>) offsets(%dma_start3A_51 : memref<128xi32, #tpu.memory_space<vmem>>) semaphore(%arg8 : memref<!tpu.dma_semaphore, #tpu.memory_space<semaphore_mem>>)
      %dma_wait3A = arith.constant 1 : i32
      %dma_wait3A_55 = arith.constant 0 : i32
      %dma_wait3A_56 = tpu.memref_slice %arg5[%dma_wait3A, %while3A_48, %dma_wait3A_55] : memref<2x97x128xi32, #tpu.memory_space<vmem>> -> memref<1x1x128xi32, #tpu.memory_space<vmem>>
      %dma_wait3A_57 = tpu.memref_squeeze %dma_wait3A_56 : memref<1x1x128xi32, #tpu.memory_space<vmem>> -> memref<128xi32, #tpu.memory_space<vmem>>
      %dma_wait3A_58 = arith.constant 0 : i32
      %dma_wait3A_59 = arith.constant 0 : i32
      %dma_wait3A_60 = tpu.memref_slice %arg2[%dma_wait3A_58, %dma_wait3A_59] : memref<10000x128xf32, #tpu.memory_space<hbm>> -> memref<10000x128xf32, #tpu.memory_space<hbm>>
      tpu.wait_indirect_dma semaphore(%arg8 : memref<!tpu.dma_semaphore, #tpu.memory_space<semaphore_mem>>) src(%dma_wait3A_60 : memref<10000x128xf32, #tpu.memory_space<hbm>>) dst(%arg6 : memref<128x128xf32, #tpu.memory_space<vmem>>)
      %run_scoped3A = arith.constant 0 : i32
      "tpu.region"() ({
        %run_scoped3A_61 = tpu.sem_alloc : memref<!tpu.dma_semaphore, #tpu.memory_space<semaphore_mem>>
        %dma_start3A_62 = arith.constant 0 : i32
        %dma_start3A_63 = tpu.memref_slice %arg5[%run_scoped3A, %while3A_48, %dma_start3A_62] : memref<2x97x128xi32, #tpu.memory_space<vmem>> -> memref<1x1x128xi32, #tpu.memory_space<vmem>>
        %dma_start3A_64 = tpu.memref_squeeze %dma_start3A_63 : memref<1x1x128xi32, #tpu.memory_space<vmem>> -> memref<128xi32, #tpu.memory_space<vmem>>
        %dma_start3A_65 = arith.constant 0 : i32
        %dma_start3A_66 = arith.constant 0 : i32
        %dma_start3A_67 = tpu.memref_slice %arg7[%dma_start3A_65, %dma_start3A_66] : memref<10240x128xf32, #tpu.memory_space<vmem_shared>> -> memref<10240x128xf32, #tpu.memory_space<vmem_shared>>
        tpu.enqueue_indirect_dma source(%arg6 : memref<128x128xf32, #tpu.memory_space<vmem>>) target(%dma_start3A_67 : memref<10240x128xf32, #tpu.memory_space<vmem_shared>>) offsets(%dma_start3A_64 : memref<128xi32, #tpu.memory_space<vmem>>) semaphore(%run_scoped3A_61 : memref<!tpu.dma_semaphore, #tpu.memory_space<semaphore_mem>>) {add = true}
        %dma_wait3A_68 = arith.constant 0 : i32
        %dma_wait3A_69 = tpu.memref_slice %arg5[%run_scoped3A, %while3A_48, %dma_wait3A_68] : memref<2x97x128xi32, #tpu.memory_space<vmem>> -> memref<1x1x128xi32, #tpu.memory_space<vmem>>
        %dma_wait3A_70 = tpu.memref_squeeze %dma_wait3A_69 : memref<1x1x128xi32, #tpu.memory_space<vmem>> -> memref<128xi32, #tpu.memory_space<vmem>>
        %dma_wait3A_71 = arith.constant 0 : i32
        %dma_wait3A_72 = arith.constant 0 : i32
        %dma_wait3A_73 = tpu.memref_slice %arg7[%dma_wait3A_71, %dma_wait3A_72] : memref<10240x128xf32, #tpu.memory_space<vmem_shared>> -> memref<10240x128xf32, #tpu.memory_space<vmem_shared>>
        tpu.wait_indirect_dma semaphore(%run_scoped3A_61 : memref<!tpu.dma_semaphore, #tpu.memory_space<semaphore_mem>>) src(%arg6 : memref<128x128xf32, #tpu.memory_space<vmem>>) dst(%dma_wait3A_73 : memref<10240x128xf32, #tpu.memory_space<vmem_shared>>)
        tpu.yield
      }) : () -> ()
    }
    %barrier3A_27 = arith.constant 0 : index
    tpu.barrier barrier_id(%barrier3A_27)
    %add3A_28 = arith.constant 0 : i32
    %add3A_29 = arith.addi %mul3A_8, %add3A_28 : i32
    "tpu.region"() ({
      %run_scoped3A = tpu.sem_alloc : memref<!tpu.dma_semaphore, #tpu.memory_space<semaphore_mem>>
      %dma_start3A = arith.constant 0 : i32
      %dma_start3A_48 = tpu.memref_slice %arg7[%add3A_29, %dma_start3A] : memref<10240x128xf32, #tpu.memory_space<vmem_shared>> -> memref<128x128xf32, #tpu.memory_space<vmem_shared>>
      %dma_start3A_49 = arith.constant 0 : i32
      %dma_start3A_50 = tpu.memref_slice %arg7[%add3A_29, %dma_start3A_49] : memref<10240x128xf32, #tpu.memory_space<vmem_shared>> -> memref<128x128xf32, #tpu.memory_space<vmem_shared>>
      tpu.enqueue_dma source(%dma_start3A_50 : memref<128x128xf32, #tpu.memory_space<vmem_shared>>) target(%arg6 : memref<128x128xf32, #tpu.memory_space<vmem>>) target_semaphore(%run_scoped3A : memref<!tpu.dma_semaphore, #tpu.memory_space<semaphore_mem>>)
      %dma_wait3A = arith.constant 0 : i32
      %dma_wait3A_51 = tpu.memref_slice %arg7[%add3A_29, %dma_wait3A] : memref<10240x128xf32, #tpu.memory_space<vmem_shared>> -> memref<128x128xf32, #tpu.memory_space<vmem_shared>>
      %dma_wait3A_52 = arith.constant 0 : i32
      %dma_wait3A_53 = tpu.memref_slice %arg7[%add3A_29, %dma_wait3A_52] : memref<10240x128xf32, #tpu.memory_space<vmem_shared>> -> memref<128x128xf32, #tpu.memory_space<vmem_shared>>
      tpu.wait_dma2 semaphore(%run_scoped3A : memref<!tpu.dma_semaphore, #tpu.memory_space<semaphore_mem>>) src(%dma_wait3A_53 : memref<128x128xf32, #tpu.memory_space<vmem_shared>>) dst(%arg6 : memref<128x128xf32, #tpu.memory_space<vmem>>)
      tpu.yield
    }) : () -> ()
    %add3A_30 = arith.constant 0 : i32
    %add3A_31 = arith.addi %mul3A_8, %add3A_30 : i32
    "tpu.region"() ({
      %run_scoped3A = tpu.sem_alloc : memref<!tpu.dma_semaphore, #tpu.memory_space<semaphore_mem>>
      %dma_start3A = arith.constant 0 : i32
      %dma_start3A_48 = tpu.memref_slice %arg4[%arg0, %add3A_31, %dma_start3A] : memref<2x10240x128xf32, #tpu.memory_space<hbm>> -> memref<1x128x128xf32, #tpu.memory_space<hbm>>
      %dma_start3A_49 = tpu.memref_squeeze %dma_start3A_48 : memref<1x128x128xf32, #tpu.memory_space<hbm>> -> memref<128x128xf32, #tpu.memory_space<hbm>>
      %dma_start3A_50 = arith.constant 0 : i32
      %dma_start3A_51 = tpu.memref_slice %arg4[%arg0, %add3A_31, %dma_start3A_50] : memref<2x10240x128xf32, #tpu.memory_space<hbm>> -> memref<1x128x128xf32, #tpu.memory_space<hbm>>
      %dma_start3A_52 = tpu.memref_squeeze %dma_start3A_51 : memref<1x128x128xf32, #tpu.memory_space<hbm>> -> memref<128x128xf32, #tpu.memory_space<hbm>>
      tpu.enqueue_dma source(%arg6 : memref<128x128xf32, #tpu.memory_space<vmem>>) target(%dma_start3A_52 : memref<128x128xf32, #tpu.memory_space<hbm>>) target_semaphore(%run_scoped3A : memref<!tpu.dma_semaphore, #tpu.memory_space<semaphore_mem>>)
      %dma_wait3A = arith.constant 0 : i32
      %dma_wait3A_53 = tpu.memref_slice %arg4[%arg0, %add3A_31, %dma_wait3A] : memref<2x10240x128xf32, #tpu.memory_space<hbm>> -> memref<1x128x128xf32, #tpu.memory_space<hbm>>
      %dma_wait3A_54 = tpu.memref_squeeze %dma_wait3A_53 : memref<1x128x128xf32, #tpu.memory_space<hbm>> -> memref<128x128xf32, #tpu.memory_space<hbm>>
      %dma_wait3A_55 = arith.constant 0 : i32
      %dma_wait3A_56 = tpu.memref_slice %arg4[%arg0, %add3A_31, %dma_wait3A_55] : memref<2x10240x128xf32, #tpu.memory_space<hbm>> -> memref<1x128x128xf32, #tpu.memory_space<hbm>>
      %dma_wait3A_57 = tpu.memref_squeeze %dma_wait3A_56 : memref<1x128x128xf32, #tpu.memory_space<hbm>> -> memref<128x128xf32, #tpu.memory_space<hbm>>
      tpu.wait_dma2 semaphore(%run_scoped3A : memref<!tpu.dma_semaphore, #tpu.memory_space<semaphore_mem>>) src(%arg6 : memref<128x128xf32, #tpu.memory_space<vmem>>) dst(%dma_wait3A_57 : memref<128x128xf32, #tpu.memory_space<hbm>>)
      tpu.yield
    }) : () -> ()
    %add3A_32 = arith.constant 128 : i32
    %add3A_33 = arith.addi %mul3A_8, %add3A_32 : i32
    "tpu.region"() ({
      %run_scoped3A = tpu.sem_alloc : memref<!tpu.dma_semaphore, #tpu.memory_space<semaphore_mem>>
      %dma_start3A = arith.constant 0 : i32
      %dma_start3A_48 = tpu.memref_slice %arg7[%add3A_33, %dma_start3A] : memref<10240x128xf32, #tpu.memory_space<vmem_shared>> -> memref<128x128xf32, #tpu.memory_space<vmem_shared>>
      %dma_start3A_49 = arith.constant 0 : i32
      %dma_start3A_50 = tpu.memref_slice %arg7[%add3A_33, %dma_start3A_49] : memref<10240x128xf32, #tpu.memory_space<vmem_shared>> -> memref<128x128xf32, #tpu.memory_space<vmem_shared>>
      tpu.enqueue_dma source(%dma_start3A_50 : memref<128x128xf32, #tpu.memory_space<vmem_shared>>) target(%arg6 : memref<128x128xf32, #tpu.memory_space<vmem>>) target_semaphore(%run_scoped3A : memref<!tpu.dma_semaphore, #tpu.memory_space<semaphore_mem>>)
      %dma_wait3A = arith.constant 0 : i32
      %dma_wait3A_51 = tpu.memref_slice %arg7[%add3A_33, %dma_wait3A] : memref<10240x128xf32, #tpu.memory_space<vmem_shared>> -> memref<128x128xf32, #tpu.memory_space<vmem_shared>>
      %dma_wait3A_52 = arith.constant 0 : i32
      %dma_wait3A_53 = tpu.memref_slice %arg7[%add3A_33, %dma_wait3A_52] : memref<10240x128xf32, #tpu.memory_space<vmem_shared>> -> memref<128x128xf32, #tpu.memory_space<vmem_shared>>
      tpu.wait_dma2 semaphore(%run_scoped3A : memref<!tpu.dma_semaphore, #tpu.memory_space<semaphore_mem>>) src(%dma_wait3A_53 : memref<128x128xf32, #tpu.memory_space<vmem_shared>>) dst(%arg6 : memref<128x128xf32, #tpu.memory_space<vmem>>)
      tpu.yield
    }) : () -> ()
    %add3A_34 = arith.constant 128 : i32
    %add3A_35 = arith.addi %mul3A_8, %add3A_34 : i32
    "tpu.region"() ({
      %run_scoped3A = tpu.sem_alloc : memref<!tpu.dma_semaphore, #tpu.memory_space<semaphore_mem>>
      %dma_start3A = arith.constant 0 : i32
      %dma_start3A_48 = tpu.memref_slice %arg4[%arg0, %add3A_35, %dma_start3A] : memref<2x10240x128xf32, #tpu.memory_space<hbm>> -> memref<1x128x128xf32, #tpu.memory_space<hbm>>
      %dma_start3A_49 = tpu.memref_squeeze %dma_start3A_48 : memref<1x128x128xf32, #tpu.memory_space<hbm>> -> memref<128x128xf32, #tpu.memory_space<hbm>>
      %dma_start3A_50 = arith.constant 0 : i32
      %dma_start3A_51 = tpu.memref_slice %arg4[%arg0, %add3A_35, %dma_start3A_50] : memref<2x10240x128xf32, #tpu.memory_space<hbm>> -> memref<1x128x128xf32, #tpu.memory_space<hbm>>
      %dma_start3A_52 = tpu.memref_squeeze %dma_start3A_51 : memref<1x128x128xf32, #tpu.memory_space<hbm>> -> memref<128x128xf32, #tpu.memory_space<hbm>>
      tpu.enqueue_dma source(%arg6 : memref<128x128xf32, #tpu.memory_space<vmem>>) target(%dma_start3A_52 : memref<128x128xf32, #tpu.memory_space<hbm>>) target_semaphore(%run_scoped3A : memref<!tpu.dma_semaphore, #tpu.memory_space<semaphore_mem>>)
      %dma_wait3A = arith.constant 0 : i32
      %dma_wait3A_53 = tpu.memref_slice %arg4[%arg0, %add3A_35, %dma_wait3A] : memref<2x10240x128xf32, #tpu.memory_space<hbm>> -> memref<1x128x128xf32, #tpu.memory_space<hbm>>
      %dma_wait3A_54 = tpu.memref_squeeze %dma_wait3A_53 : memref<1x128x128xf32, #tpu.memory_space<hbm>> -> memref<128x128xf32, #tpu.memory_space<hbm>>
      %dma_wait3A_55 = arith.constant 0 : i32
      %dma_wait3A_56 = tpu.memref_slice %arg4[%arg0, %add3A_35, %dma_wait3A_55] : memref<2x10240x128xf32, #tpu.memory_space<hbm>> -> memref<1x128x128xf32, #tpu.memory_space<hbm>>
      %dma_wait3A_57 = tpu.memref_squeeze %dma_wait3A_56 : memref<1x128x128xf32, #tpu.memory_space<hbm>> -> memref<128x128xf32, #tpu.memory_space<hbm>>
      tpu.wait_dma2 semaphore(%run_scoped3A : memref<!tpu.dma_semaphore, #tpu.memory_space<semaphore_mem>>) src(%arg6 : memref<128x128xf32, #tpu.memory_space<vmem>>) dst(%dma_wait3A_57 : memref<128x128xf32, #tpu.memory_space<hbm>>)
      tpu.yield
    }) : () -> ()
    %add3A_36 = arith.constant 256 : i32
    %add3A_37 = arith.addi %mul3A_8, %add3A_36 : i32
    "tpu.region"() ({
      %run_scoped3A = tpu.sem_alloc : memref<!tpu.dma_semaphore, #tpu.memory_space<semaphore_mem>>
      %dma_start3A = arith.constant 0 : i32
      %dma_start3A_48 = tpu.memref_slice %arg7[%add3A_37, %dma_start3A] : memref<10240x128xf32, #tpu.memory_space<vmem_shared>> -> memref<128x128xf32, #tpu.memory_space<vmem_shared>>
      %dma_start3A_49 = arith.constant 0 : i32
      %dma_start3A_50 = tpu.memref_slice %arg7[%add3A_37, %dma_start3A_49] : memref<10240x128xf32, #tpu.memory_space<vmem_shared>> -> memref<128x128xf32, #tpu.memory_space<vmem_shared>>
      tpu.enqueue_dma source(%dma_start3A_50 : memref<128x128xf32, #tpu.memory_space<vmem_shared>>) target(%arg6 : memref<128x128xf32, #tpu.memory_space<vmem>>) target_semaphore(%run_scoped3A : memref<!tpu.dma_semaphore, #tpu.memory_space<semaphore_mem>>)
      %dma_wait3A = arith.constant 0 : i32
      %dma_wait3A_51 = tpu.memref_slice %arg7[%add3A_37, %dma_wait3A] : memref<10240x128xf32, #tpu.memory_space<vmem_shared>> -> memref<128x128xf32, #tpu.memory_space<vmem_shared>>
      %dma_wait3A_52 = arith.constant 0 : i32
      %dma_wait3A_53 = tpu.memref_slice %arg7[%add3A_37, %dma_wait3A_52] : memref<10240x128xf32, #tpu.memory_space<vmem_shared>> -> memref<128x128xf32, #tpu.memory_space<vmem_shared>>
      tpu.wait_dma2 semaphore(%run_scoped3A : memref<!tpu.dma_semaphore, #tpu.memory_space<semaphore_mem>>) src(%dma_wait3A_53 : memref<128x128xf32, #tpu.memory_space<vmem_shared>>) dst(%arg6 : memref<128x128xf32, #tpu.memory_space<vmem>>)
      tpu.yield
    }) : () -> ()
    %add3A_38 = arith.constant 256 : i32
    %add3A_39 = arith.addi %mul3A_8, %add3A_38 : i32
    "tpu.region"() ({
      %run_scoped3A = tpu.sem_alloc : memref<!tpu.dma_semaphore, #tpu.memory_space<semaphore_mem>>
      %dma_start3A = arith.constant 0 : i32
      %dma_start3A_48 = tpu.memref_slice %arg4[%arg0, %add3A_39, %dma_start3A] : memref<2x10240x128xf32, #tpu.memory_space<hbm>> -> memref<1x128x128xf32, #tpu.memory_space<hbm>>
      %dma_start3A_49 = tpu.memref_squeeze %dma_start3A_48 : memref<1x128x128xf32, #tpu.memory_space<hbm>> -> memref<128x128xf32, #tpu.memory_space<hbm>>
      %dma_start3A_50 = arith.constant 0 : i32
      %dma_start3A_51 = tpu.memref_slice %arg4[%arg0, %add3A_39, %dma_start3A_50] : memref<2x10240x128xf32, #tpu.memory_space<hbm>> -> memref<1x128x128xf32, #tpu.memory_space<hbm>>
      %dma_start3A_52 = tpu.memref_squeeze %dma_start3A_51 : memref<1x128x128xf32, #tpu.memory_space<hbm>> -> memref<128x128xf32, #tpu.memory_space<hbm>>
      tpu.enqueue_dma source(%arg6 : memref<128x128xf32, #tpu.memory_space<vmem>>) target(%dma_start3A_52 : memref<128x128xf32, #tpu.memory_space<hbm>>) target_semaphore(%run_scoped3A : memref<!tpu.dma_semaphore, #tpu.memory_space<semaphore_mem>>)
      %dma_wait3A = arith.constant 0 : i32
      %dma_wait3A_53 = tpu.memref_slice %arg4[%arg0, %add3A_39, %dma_wait3A] : memref<2x10240x128xf32, #tpu.memory_space<hbm>> -> memref<1x128x128xf32, #tpu.memory_space<hbm>>
      %dma_wait3A_54 = tpu.memref_squeeze %dma_wait3A_53 : memref<1x128x128xf32, #tpu.memory_space<hbm>> -> memref<128x128xf32, #tpu.memory_space<hbm>>
      %dma_wait3A_55 = arith.constant 0 : i32
      %dma_wait3A_56 = tpu.memref_slice %arg4[%arg0, %add3A_39, %dma_wait3A_55] : memref<2x10240x128xf32, #tpu.memory_space<hbm>> -> memref<1x128x128xf32, #tpu.memory_space<hbm>>
      %dma_wait3A_57 = tpu.memref_squeeze %dma_wait3A_56 : memref<1x128x128xf32, #tpu.memory_space<hbm>> -> memref<128x128xf32, #tpu.memory_space<hbm>>
      tpu.wait_dma2 semaphore(%run_scoped3A : memref<!tpu.dma_semaphore, #tpu.memory_space<semaphore_mem>>) src(%arg6 : memref<128x128xf32, #tpu.memory_space<vmem>>) dst(%dma_wait3A_57 : memref<128x128xf32, #tpu.memory_space<hbm>>)
      tpu.yield
    }) : () -> ()
    %add3A_40 = arith.constant 384 : i32
    %add3A_41 = arith.addi %mul3A_8, %add3A_40 : i32
    "tpu.region"() ({
      %run_scoped3A = tpu.sem_alloc : memref<!tpu.dma_semaphore, #tpu.memory_space<semaphore_mem>>
      %dma_start3A = arith.constant 0 : i32
      %dma_start3A_48 = tpu.memref_slice %arg7[%add3A_41, %dma_start3A] : memref<10240x128xf32, #tpu.memory_space<vmem_shared>> -> memref<128x128xf32, #tpu.memory_space<vmem_shared>>
      %dma_start3A_49 = arith.constant 0 : i32
      %dma_start3A_50 = tpu.memref_slice %arg7[%add3A_41, %dma_start3A_49] : memref<10240x128xf32, #tpu.memory_space<vmem_shared>> -> memref<128x128xf32, #tpu.memory_space<vmem_shared>>
      tpu.enqueue_dma source(%dma_start3A_50 : memref<128x128xf32, #tpu.memory_space<vmem_shared>>) target(%arg6 : memref<128x128xf32, #tpu.memory_space<vmem>>) target_semaphore(%run_scoped3A : memref<!tpu.dma_semaphore, #tpu.memory_space<semaphore_mem>>)
      %dma_wait3A = arith.constant 0 : i32
      %dma_wait3A_51 = tpu.memref_slice %arg7[%add3A_41, %dma_wait3A] : memref<10240x128xf32, #tpu.memory_space<vmem_shared>> -> memref<128x128xf32, #tpu.memory_space<vmem_shared>>
      %dma_wait3A_52 = arith.constant 0 : i32
      %dma_wait3A_53 = tpu.memref_slice %arg7[%add3A_41, %dma_wait3A_52] : memref<10240x128xf32, #tpu.memory_space<vmem_shared>> -> memref<128x128xf32, #tpu.memory_space<vmem_shared>>
      tpu.wait_dma2 semaphore(%run_scoped3A : memref<!tpu.dma_semaphore, #tpu.memory_space<semaphore_mem>>) src(%dma_wait3A_53 : memref<128x128xf32, #tpu.memory_space<vmem_shared>>) dst(%arg6 : memref<128x128xf32, #tpu.memory_space<vmem>>)
      tpu.yield
    }) : () -> ()
    %add3A_42 = arith.constant 384 : i32
    %add3A_43 = arith.addi %mul3A_8, %add3A_42 : i32
    "tpu.region"() ({
      %run_scoped3A = tpu.sem_alloc : memref<!tpu.dma_semaphore, #tpu.memory_space<semaphore_mem>>
      %dma_start3A = arith.constant 0 : i32
      %dma_start3A_48 = tpu.memref_slice %arg4[%arg0, %add3A_43, %dma_start3A] : memref<2x10240x128xf32, #tpu.memory_space<hbm>> -> memref<1x128x128xf32, #tpu.memory_space<hbm>>
      %dma_start3A_49 = tpu.memref_squeeze %dma_start3A_48 : memref<1x128x128xf32, #tpu.memory_space<hbm>> -> memref<128x128xf32, #tpu.memory_space<hbm>>
      %dma_start3A_50 = arith.constant 0 : i32
      %dma_start3A_51 = tpu.memref_slice %arg4[%arg0, %add3A_43, %dma_start3A_50] : memref<2x10240x128xf32, #tpu.memory_space<hbm>> -> memref<1x128x128xf32, #tpu.memory_space<hbm>>
      %dma_start3A_52 = tpu.memref_squeeze %dma_start3A_51 : memref<1x128x128xf32, #tpu.memory_space<hbm>> -> memref<128x128xf32, #tpu.memory_space<hbm>>
      tpu.enqueue_dma source(%arg6 : memref<128x128xf32, #tpu.memory_space<vmem>>) target(%dma_start3A_52 : memref<128x128xf32, #tpu.memory_space<hbm>>) target_semaphore(%run_scoped3A : memref<!tpu.dma_semaphore, #tpu.memory_space<semaphore_mem>>)
      %dma_wait3A = arith.constant 0 : i32
      %dma_wait3A_53 = tpu.memref_slice %arg4[%arg0, %add3A_43, %dma_wait3A] : memref<2x10240x128xf32, #tpu.memory_space<hbm>> -> memref<1x128x128xf32, #tpu.memory_space<hbm>>
      %dma_wait3A_54 = tpu.memref_squeeze %dma_wait3A_53 : memref<1x128x128xf32, #tpu.memory_space<hbm>> -> memref<128x128xf32, #tpu.memory_space<hbm>>
      %dma_wait3A_55 = arith.constant 0 : i32
      %dma_wait3A_56 = tpu.memref_slice %arg4[%arg0, %add3A_43, %dma_wait3A_55] : memref<2x10240x128xf32, #tpu.memory_space<hbm>> -> memref<1x128x128xf32, #tpu.memory_space<hbm>>
      %dma_wait3A_57 = tpu.memref_squeeze %dma_wait3A_56 : memref<1x128x128xf32, #tpu.memory_space<hbm>> -> memref<128x128xf32, #tpu.memory_space<hbm>>
      tpu.wait_dma2 semaphore(%run_scoped3A : memref<!tpu.dma_semaphore, #tpu.memory_space<semaphore_mem>>) src(%arg6 : memref<128x128xf32, #tpu.memory_space<vmem>>) dst(%dma_wait3A_57 : memref<128x128xf32, #tpu.memory_space<hbm>>)
      tpu.yield
    }) : () -> ()
    %add3A_44 = arith.constant 512 : i32
    %add3A_45 = arith.addi %mul3A_8, %add3A_44 : i32
    "tpu.region"() ({
      %run_scoped3A = tpu.sem_alloc : memref<!tpu.dma_semaphore, #tpu.memory_space<semaphore_mem>>
      %dma_start3A = arith.constant 0 : i32
      %dma_start3A_48 = tpu.memref_slice %arg7[%add3A_45, %dma_start3A] : memref<10240x128xf32, #tpu.memory_space<vmem_shared>> -> memref<128x128xf32, #tpu.memory_space<vmem_shared>>
      %dma_start3A_49 = arith.constant 0 : i32
      %dma_start3A_50 = tpu.memref_slice %arg7[%add3A_45, %dma_start3A_49] : memref<10240x128xf32, #tpu.memory_space<vmem_shared>> -> memref<128x128xf32, #tpu.memory_space<vmem_shared>>
      tpu.enqueue_dma source(%dma_start3A_50 : memref<128x128xf32, #tpu.memory_space<vmem_shared>>) target(%arg6 : memref<128x128xf32, #tpu.memory_space<vmem>>) target_semaphore(%run_scoped3A : memref<!tpu.dma_semaphore, #tpu.memory_space<semaphore_mem>>)
      %dma_wait3A = arith.constant 0 : i32
      %dma_wait3A_51 = tpu.memref_slice %arg7[%add3A_45, %dma_wait3A] : memref<10240x128xf32, #tpu.memory_space<vmem_shared>> -> memref<128x128xf32, #tpu.memory_space<vmem_shared>>
      %dma_wait3A_52 = arith.constant 0 : i32
      %dma_wait3A_53 = tpu.memref_slice %arg7[%add3A_45, %dma_wait3A_52] : memref<10240x128xf32, #tpu.memory_space<vmem_shared>> -> memref<128x128xf32, #tpu.memory_space<vmem_shared>>
      tpu.wait_dma2 semaphore(%run_scoped3A : memref<!tpu.dma_semaphore, #tpu.memory_space<semaphore_mem>>) src(%dma_wait3A_53 : memref<128x128xf32, #tpu.memory_space<vmem_shared>>) dst(%arg6 : memref<128x128xf32, #tpu.memory_space<vmem>>)
      tpu.yield
    }) : () -> ()
    %add3A_46 = arith.constant 512 : i32
    %add3A_47 = arith.addi %mul3A_8, %add3A_46 : i32
    "tpu.region"() ({
      %run_scoped3A = tpu.sem_alloc : memref<!tpu.dma_semaphore, #tpu.memory_space<semaphore_mem>>
      %dma_start3A = arith.constant 0 : i32
      %dma_start3A_48 = tpu.memref_slice %arg4[%arg0, %add3A_47, %dma_start3A] : memref<2x10240x128xf32, #tpu.memory_space<hbm>> -> memref<1x128x128xf32, #tpu.memory_space<hbm>>
      %dma_start3A_49 = tpu.memref_squeeze %dma_start3A_48 : memref<1x128x128xf32, #tpu.memory_space<hbm>> -> memref<128x128xf32, #tpu.memory_space<hbm>>
      %dma_start3A_50 = arith.constant 0 : i32
      %dma_start3A_51 = tpu.memref_slice %arg4[%arg0, %add3A_47, %dma_start3A_50] : memref<2x10240x128xf32, #tpu.memory_space<hbm>> -> memref<1x128x128xf32, #tpu.memory_space<hbm>>
      %dma_start3A_52 = tpu.memref_squeeze %dma_start3A_51 : memref<1x128x128xf32, #tpu.memory_space<hbm>> -> memref<128x128xf32, #tpu.memory_space<hbm>>
      tpu.enqueue_dma source(%arg6 : memref<128x128xf32, #tpu.memory_space<vmem>>) target(%dma_start3A_52 : memref<128x128xf32, #tpu.memory_space<hbm>>) target_semaphore(%run_scoped3A : memref<!tpu.dma_semaphore, #tpu.memory_space<semaphore_mem>>)
      %dma_wait3A = arith.constant 0 : i32
      %dma_wait3A_53 = tpu.memref_slice %arg4[%arg0, %add3A_47, %dma_wait3A] : memref<2x10240x128xf32, #tpu.memory_space<hbm>> -> memref<1x128x128xf32, #tpu.memory_space<hbm>>
      %dma_wait3A_54 = tpu.memref_squeeze %dma_wait3A_53 : memref<1x128x128xf32, #tpu.memory_space<hbm>> -> memref<128x128xf32, #tpu.memory_space<hbm>>
      %dma_wait3A_55 = arith.constant 0 : i32
      %dma_wait3A_56 = tpu.memref_slice %arg4[%arg0, %add3A_47, %dma_wait3A_55] : memref<2x10240x128xf32, #tpu.memory_space<hbm>> -> memref<1x128x128xf32, #tpu.memory_space<hbm>>
      %dma_wait3A_57 = tpu.memref_squeeze %dma_wait3A_56 : memref<1x128x128xf32, #tpu.memory_space<hbm>> -> memref<128x128xf32, #tpu.memory_space<hbm>>
      tpu.wait_dma2 semaphore(%run_scoped3A : memref<!tpu.dma_semaphore, #tpu.memory_space<semaphore_mem>>) src(%arg6 : memref<128x128xf32, #tpu.memory_space<vmem>>) dst(%dma_wait3A_57 : memref<128x128xf32, #tpu.memory_space<hbm>>)
      tpu.yield
    }) : () -> ()
    return
  }
}

#map = affine_map<(d0, d1) -> (0, 0)>
#map1 = affine_map<(d0, d1) -> (0, 0, 0, 0, 0)>
#map2 = affine_map<(d0, d1) -> (0, 0, 0)>
module attributes {stable_mosaic.version = 14 : i64} {
  func.func @sc_scatter(%arg0: i32, %arg1: i32, %arg2: memref<10000x128xf32, #tpu.memory_space<hbm>>, %arg3: memref<2x16x2x97x128xi32, #tpu.memory_space<hbm>>, %arg4: memref<2x10240x128xf32, #tpu.memory_space<hbm>>, %arg5: memref<2x97x128xi32, #tpu.memory_space<vmem>>, %arg6: memref<128x128xf32, #tpu.memory_space<vmem>>, %arg7: memref<10240x128xf32, #tpu.memory_space<vmem_shared>>, %arg8: memref<!tpu.dma_semaphore, #tpu.memory_space<semaphore_mem>>) attributes {dimension_semantics = [#tpu.dimension_semantics<core_parallel>, #tpu.dimension_semantics<subcore_parallel>], iteration_bounds = array<i64: 2, 16>, scalar_prefetch = 0 : i64, scratch_operands = 4 : i64, tpu.core_type = #tpu.core_type<sc_vector_subcore>, window_params = [{transform_indices = #map}, {transform_indices = #map1}, {transform_indices = #map2}]} {
    %eq3A = arith.constant 0 : i32
    %eq3A_0 = arith.cmpi eq, %arg0, %eq3A : i32
    %jit3A = arith.constant 97 : i32
    %jit3A_1 = arith.constant 60 : i32
    %select_n3A = arith.select %eq3A_0, %jit3A, %jit3A_1 : i32
    %broadcast_in_dim3A = arith.constant 0.000000e+00 : f32
    %broadcast_in_dim3A_2 = vector.broadcast %broadcast_in_dim3A : f32 to vector<16xf32>
    %scan3A = arith.constant 0 : i32
    %scan3A_3 = arith.constant 0 : i32
    %scan3A_4 = arith.constant 128 : i32
    %scan3A_5 = arith.addi %scan3A_3, %scan3A_4 : i32
    %scan3A_6 = arith.constant 1 : i32
    scf.for %scan3A_48 = %scan3A_3 to %scan3A_5 step %scan3A_6  : i32 {
      %swap3A = arith.index_cast %scan3A_48 : i32 to index
      %swap3A_49 = arith.constant 0 : index
      %swap3A_50 = tpu.vector_load %arg6[%swap3A, %swap3A_49] {strides = array<i32>} : memref<128x128xf32, #tpu.memory_space<vmem>>, vector<1x16xf32>,
      %swap3A_51 = vector.shape_cast %swap3A_50 : vector<1x16xf32> to vector<16xf32>
      %swap3A_52 = vector.shape_cast %broadcast_in_dim3A_2 : vector<16xf32> to vector<1x16xf32>
      tpu.vector_store %arg6[%swap3A, %swap3A_49], %swap3A_52 {strides = array<i32>} : memref<128x128xf32, #tpu.memory_space<vmem>>, vector<1x16xf32>,
      %swap3A_53 = arith.index_cast %scan3A_48 : i32 to index
      %swap3A_54 = arith.constant 16 : index
      %swap3A_55 = tpu.vector_load %arg6[%swap3A_53, %swap3A_54] {strides = array<i32>} : memref<128x128xf32, #tpu.memory_space<vmem>>, vector<1x16xf32>,
      %swap3A_56 = vector.shape_cast %swap3A_55 : vector<1x16xf32> to vector<16xf32>
      %swap3A_57 = vector.shape_cast %broadcast_in_dim3A_2 : vector<16xf32> to vector<1x16xf32>
      tpu.vector_store %arg6[%swap3A_53, %swap3A_54], %swap3A_57 {strides = array<i32>} : memref<128x128xf32, #tpu.memory_space<vmem>>, vector<1x16xf32>,
      %swap3A_58 = arith.index_cast %scan3A_48 : i32 to index
      %swap3A_59 = arith.constant 32 : index
      %swap3A_60 = tpu.vector_load %arg6[%swap3A_58, %swap3A_59] {strides = array<i32>} : memref<128x128xf32, #tpu.memory_space<vmem>>, vector<1x16xf32>,
      %swap3A_61 = vector.shape_cast %swap3A_60 : vector<1x16xf32> to vector<16xf32>
      %swap3A_62 = vector.shape_cast %broadcast_in_dim3A_2 : vector<16xf32> to vector<1x16xf32>
      tpu.vector_store %arg6[%swap3A_58, %swap3A_59], %swap3A_62 {strides = array<i32>} : memref<128x128xf32, #tpu.memory_space<vmem>>, vector<1x16xf32>,
      %swap3A_63 = arith.index_cast %scan3A_48 : i32 to index
      %swap3A_64 = arith.constant 48 : index
      %swap3A_65 = tpu.vector_load %arg6[%swap3A_63, %swap3A_64] {strides = array<i32>} : memref<128x128xf32, #tpu.memory_space<vmem>>, vector<1x16xf32>,
      %swap3A_66 = vector.shape_cast %swap3A_65 : vector<1x16xf32> to vector<16xf32>
      %swap3A_67 = vector.shape_cast %broadcast_in_dim3A_2 : vector<16xf32> to vector<1x16xf32>
      tpu.vector_store %arg6[%swap3A_63, %swap3A_64], %swap3A_67 {strides = array<i32>} : memref<128x128xf32, #tpu.memory_space<vmem>>, vector<1x16xf32>,
      %swap3A_68 = arith.index_cast %scan3A_48 : i32 to index
      %swap3A_69 = arith.constant 64 : index
      %swap3A_70 = tpu.vector_load %arg6[%swap3A_68, %swap3A_69] {strides = array<i32>} : memref<128x128xf32, #tpu.memory_space<vmem>>, vector<1x16xf32>,
      %swap3A_71 = vector.shape_cast %swap3A_70 : vector<1x16xf32> to vector<16xf32>
      %swap3A_72 = vector.shape_cast %broadcast_in_dim3A_2 : vector<16xf32> to vector<1x16xf32>
      tpu.vector_store %arg6[%swap3A_68, %swap3A_69], %swap3A_72 {strides = array<i32>} : memref<128x128xf32, #tpu.memory_space<vmem>>, vector<1x16xf32>,
      %swap3A_73 = arith.index_cast %scan3A_48 : i32 to index
      %swap3A_74 = arith.constant 80 : index
      %swap3A_75 = tpu.vector_load %arg6[%swap3A_73, %swap3A_74] {strides = array<i32>} : memref<128x128xf32, #tpu.memory_space<vmem>>, vector<1x16xf32>,
      %swap3A_76 = vector.shape_cast %swap3A_75 : vector<1x16xf32> to vector<16xf32>
      %swap3A_77 = vector.shape_cast %broadcast_in_dim3A_2 : vector<16xf32> to vector<1x16xf32>
      tpu.vector_store %arg6[%swap3A_73, %swap3A_74], %swap3A_77 {strides = array<i32>} : memref<128x128xf32, #tpu.memory_space<vmem>>, vector<1x16xf32>,
      %swap3A_78 = arith.index_cast %scan3A_48 : i32 to index
      %swap3A_79 = arith.constant 96 : index
      %swap3A_80 = tpu.vector_load %arg6[%swap3A_78, %swap3A_79] {strides = array<i32>} : memref<128x128xf32, #tpu.memory_space<vmem>>, vector<1x16xf32>,
      %swap3A_81 = vector.shape_cast %swap3A_80 : vector<1x16xf32> to vector<16xf32>
      %swap3A_82 = vector.shape_cast %broadcast_in_dim3A_2 : vector<16xf32> to vector<1x16xf32>
      tpu.vector_store %arg6[%swap3A_78, %swap3A_79], %swap3A_82 {strides = array<i32>} : memref<128x128xf32, #tpu.memory_space<vmem>>, vector<1x16xf32>,
      %swap3A_83 = arith.index_cast %scan3A_48 : i32 to index
      %swap3A_84 = arith.constant 112 : index
      %swap3A_85 = tpu.vector_load %arg6[%swap3A_83, %swap3A_84] {strides = array<i32>} : memref<128x128xf32, #tpu.memory_space<vmem>>, vector<1x16xf32>,
      %swap3A_86 = vector.shape_cast %swap3A_85 : vector<1x16xf32> to vector<16xf32>
      %swap3A_87 = vector.shape_cast %broadcast_in_dim3A_2 : vector<16xf32> to vector<1x16xf32>
      tpu.vector_store %arg6[%swap3A_83, %swap3A_84], %swap3A_87 {strides = array<i32>} : memref<128x128xf32, #tpu.memory_space<vmem>>, vector<1x16xf32>,
    }
    %scan3A_7 = arith.constant 128 : i32
    %mul3A = arith.constant 640 : i32
    %mul3A_8 = arith.muli %arg1, %mul3A : i32
    %add3A = arith.constant 0 : i32
    %add3A_9 = arith.addi %mul3A_8, %add3A : i32
    "tpu.region"() ({
      %run_scoped3A = tpu.sem_alloc : memref<!tpu.dma_semaphore, #tpu.memory_space<semaphore_mem>>
      %dma_start3A = arith.constant 0 : i32
      %dma_start3A_48 = tpu.memref_slice %arg7[%add3A_9, %dma_start3A] : memref<10240x128xf32, #tpu.memory_space<vmem_shared>> -> memref<128x128xf32, #tpu.memory_space<vmem_shared>>
      %dma_start3A_49 = arith.constant 0 : i32
      %dma_start3A_50 = tpu.memref_slice %arg7[%add3A_9, %dma_start3A_49] : memref<10240x128xf32, #tpu.memory_space<vmem_shared>> -> memref<128x128xf32, #tpu.memory_space<vmem_shared>>
      tpu.enqueue_dma source(%arg6 : memref<128x128xf32, #tpu.memory_space<vmem>>) target(%dma_start3A_50 : memref<128x128xf32, #tpu.memory_space<vmem_shared>>) target_semaphore(%run_scoped3A : memref<!tpu.dma_semaphore, #tpu.memory_space<semaphore_mem>>)
      %dma_wait3A = arith.constant 0 : i32
      %dma_wait3A_51 = tpu.memref_slice %arg7[%add3A_9, %dma_wait3A] : memref<10240x128xf32, #tpu.memory_space<vmem_shared>> -> memref<128x128xf32, #tpu.memory_space<vmem_shared>>
      %dma_wait3A_52 = arith.constant 0 : i32
      %dma_wait3A_53 = tpu.memref_slice %arg7[%add3A_9, %dma_wait3A_52] : memref<10240x128xf32, #tpu.memory_space<vmem_shared>> -> memref<128x128xf32, #tpu.memory_space<vmem_shared>>
      tpu.wait_dma2 semaphore(%run_scoped3A : memref<!tpu.dma_semaphore, #tpu.memory_space<semaphore_mem>>) src(%arg6 : memref<128x128xf32, #tpu.memory_space<vmem>>) dst(%dma_wait3A_53 : memref<128x128xf32, #tpu.memory_space<vmem_shared>>)
      tpu.yield
    }) : () -> ()
    %add3A_10 = arith.constant 128 : i32
    %add3A_11 = arith.addi %mul3A_8, %add3A_10 : i32
    "tpu.region"() ({
      %run_scoped3A = tpu.sem_alloc : memref<!tpu.dma_semaphore, #tpu.memory_space<semaphore_mem>>
      %dma_start3A = arith.constant 0 : i32
      %dma_start3A_48 = tpu.memref_slice %arg7[%add3A_11, %dma_start3A] : memref<10240x128xf32, #tpu.memory_space<vmem_shared>> -> memref<128x128xf32, #tpu.memory_space<vmem_shared>>
      %dma_start3A_49 = arith.constant 0 : i32
      %dma_start3A_50 = tpu.memref_slice %arg7[%add3A_11, %dma_start3A_49] : memref<10240x128xf32, #tpu.memory_space<vmem_shared>> -> memref<128x128xf32, #tpu.memory_space<vmem_shared>>
      tpu.enqueue_dma source(%arg6 : memref<128x128xf32, #tpu.memory_space<vmem>>) target(%dma_start3A_50 : memref<128x128xf32, #tpu.memory_space<vmem_shared>>) target_semaphore(%run_scoped3A : memref<!tpu.dma_semaphore, #tpu.memory_space<semaphore_mem>>)
      %dma_wait3A = arith.constant 0 : i32
      %dma_wait3A_51 = tpu.memref_slice %arg7[%add3A_11, %dma_wait3A] : memref<10240x128xf32, #tpu.memory_space<vmem_shared>> -> memref<128x128xf32, #tpu.memory_space<vmem_shared>>
      %dma_wait3A_52 = arith.constant 0 : i32
      %dma_wait3A_53 = tpu.memref_slice %arg7[%add3A_11, %dma_wait3A_52] : memref<10240x128xf32, #tpu.memory_space<vmem_shared>> -> memref<128x128xf32, #tpu.memory_space<vmem_shared>>
      tpu.wait_dma2 semaphore(%run_scoped3A : memref<!tpu.dma_semaphore, #tpu.memory_space<semaphore_mem>>) src(%arg6 : memref<128x128xf32, #tpu.memory_space<vmem>>) dst(%dma_wait3A_53 : memref<128x128xf32, #tpu.memory_space<vmem_shared>>)
      tpu.yield
    }) : () -> ()
    %add3A_12 = arith.constant 256 : i32
    %add3A_13 = arith.addi %mul3A_8, %add3A_12 : i32
    "tpu.region"() ({
      %run_scoped3A = tpu.sem_alloc : memref<!tpu.dma_semaphore, #tpu.memory_space<semaphore_mem>>
      %dma_start3A = arith.constant 0 : i32
      %dma_start3A_48 = tpu.memref_slice %arg7[%add3A_13, %dma_start3A] : memref<10240x128xf32, #tpu.memory_space<vmem_shared>> -> memref<128x128xf32, #tpu.memory_space<vmem_shared>>
      %dma_start3A_49 = arith.constant 0 : i32
      %dma_start3A_50 = tpu.memref_slice %arg7[%add3A_13, %dma_start3A_49] : memref<10240x128xf32, #tpu.memory_space<vmem_shared>> -> memref<128x128xf32, #tpu.memory_space<vmem_shared>>
      tpu.enqueue_dma source(%arg6 : memref<128x128xf32, #tpu.memory_space<vmem>>) target(%dma_start3A_50 : memref<128x128xf32, #tpu.memory_space<vmem_shared>>) target_semaphore(%run_scoped3A : memref<!tpu.dma_semaphore, #tpu.memory_space<semaphore_mem>>)
      %dma_wait3A = arith.constant 0 : i32
      %dma_wait3A_51 = tpu.memref_slice %arg7[%add3A_13, %dma_wait3A] : memref<10240x128xf32, #tpu.memory_space<vmem_shared>> -> memref<128x128xf32, #tpu.memory_space<vmem_shared>>
      %dma_wait3A_52 = arith.constant 0 : i32
      %dma_wait3A_53 = tpu.memref_slice %arg7[%add3A_13, %dma_wait3A_52] : memref<10240x128xf32, #tpu.memory_space<vmem_shared>> -> memref<128x128xf32, #tpu.memory_space<vmem_shared>>
      tpu.wait_dma2 semaphore(%run_scoped3A : memref<!tpu.dma_semaphore, #tpu.memory_space<semaphore_mem>>) src(%arg6 : memref<128x128xf32, #tpu.memory_space<vmem>>) dst(%dma_wait3A_53 : memref<128x128xf32, #tpu.memory_space<vmem_shared>>)
      tpu.yield
    }) : () -> ()
    %add3A_14 = arith.constant 384 : i32
    %add3A_15 = arith.addi %mul3A_8, %add3A_14 : i32
    "tpu.region"() ({
      %run_scoped3A = tpu.sem_alloc : memref<!tpu.dma_semaphore, #tpu.memory_space<semaphore_mem>>
      %dma_start3A = arith.constant 0 : i32
      %dma_start3A_48 = tpu.memref_slice %arg7[%add3A_15, %dma_start3A] : memref<10240x128xf32, #tpu.memory_space<vmem_shared>> -> memref<128x128xf32, #tpu.memory_space<vmem_shared>>
      %dma_start3A_49 = arith.constant 0 : i32
      %dma_start3A_50 = tpu.memref_slice %arg7[%add3A_15, %dma_start3A_49] : memref<10240x128xf32, #tpu.memory_space<vmem_shared>> -> memref<128x128xf32, #tpu.memory_space<vmem_shared>>
      tpu.enqueue_dma source(%arg6 : memref<128x128xf32, #tpu.memory_space<vmem>>) target(%dma_start3A_50 : memref<128x128xf32, #tpu.memory_space<vmem_shared>>) target_semaphore(%run_scoped3A : memref<!tpu.dma_semaphore, #tpu.memory_space<semaphore_mem>>)
      %dma_wait3A = arith.constant 0 : i32
      %dma_wait3A_51 = tpu.memref_slice %arg7[%add3A_15, %dma_wait3A] : memref<10240x128xf32, #tpu.memory_space<vmem_shared>> -> memref<128x128xf32, #tpu.memory_space<vmem_shared>>
      %dma_wait3A_52 = arith.constant 0 : i32
      %dma_wait3A_53 = tpu.memref_slice %arg7[%add3A_15, %dma_wait3A_52] : memref<10240x128xf32, #tpu.memory_space<vmem_shared>> -> memref<128x128xf32, #tpu.memory_space<vmem_shared>>
      tpu.wait_dma2 semaphore(%run_scoped3A : memref<!tpu.dma_semaphore, #tpu.memory_space<semaphore_mem>>) src(%arg6 : memref<128x128xf32, #tpu.memory_space<vmem>>) dst(%dma_wait3A_53 : memref<128x128xf32, #tpu.memory_space<vmem_shared>>)
      tpu.yield
    }) : () -> ()
    %add3A_16 = arith.constant 512 : i32
    %add3A_17 = arith.addi %mul3A_8, %add3A_16 : i32
    "tpu.region"() ({
      %run_scoped3A = tpu.sem_alloc : memref<!tpu.dma_semaphore, #tpu.memory_space<semaphore_mem>>
      %dma_start3A = arith.constant 0 : i32
      %dma_start3A_48 = tpu.memref_slice %arg7[%add3A_17, %dma_start3A] : memref<10240x128xf32, #tpu.memory_space<vmem_shared>> -> memref<128x128xf32, #tpu.memory_space<vmem_shared>>
      %dma_start3A_49 = arith.constant 0 : i32
      %dma_start3A_50 = tpu.memref_slice %arg7[%add3A_17, %dma_start3A_49] : memref<10240x128xf32, #tpu.memory_space<vmem_shared>> -> memref<128x128xf32, #tpu.memory_space<vmem_shared>>
      tpu.enqueue_dma source(%arg6 : memref<128x128xf32, #tpu.memory_space<vmem>>) target(%dma_start3A_50 : memref<128x128xf32, #tpu.memory_space<vmem_shared>>) target_semaphore(%run_scoped3A : memref<!tpu.dma_semaphore, #tpu.memory_space<semaphore_mem>>)
      %dma_wait3A = arith.constant 0 : i32
      %dma_wait3A_51 = tpu.memref_slice %arg7[%add3A_17, %dma_wait3A] : memref<10240x128xf32, #tpu.memory_space<vmem_shared>> -> memref<128x128xf32, #tpu.memory_space<vmem_shared>>
      %dma_wait3A_52 = arith.constant 0 : i32
      %dma_wait3A_53 = tpu.memref_slice %arg7[%add3A_17, %dma_wait3A_52] : memref<10240x128xf32, #tpu.memory_space<vmem_shared>> -> memref<128x128xf32, #tpu.memory_space<vmem_shared>>
      tpu.wait_dma2 semaphore(%run_scoped3A : memref<!tpu.dma_semaphore, #tpu.memory_space<semaphore_mem>>) src(%arg6 : memref<128x128xf32, #tpu.memory_space<vmem>>) dst(%dma_wait3A_53 : memref<128x128xf32, #tpu.memory_space<vmem_shared>>)
      tpu.yield
    }) : () -> ()
    %barrier3A = arith.constant 0 : index
    tpu.barrier barrier_id(%barrier3A)
    "tpu.region"() ({
      %run_scoped3A = tpu.sem_alloc : memref<!tpu.dma_semaphore, #tpu.memory_space<semaphore_mem>>
      %dma_start3A = arith.constant 0 : i32
      %dma_start3A_48 = arith.constant 0 : i32
      %dma_start3A_49 = arith.constant 0 : i32
      %dma_start3A_50 = tpu.memref_slice %arg3[%arg0, %arg1, %dma_start3A, %dma_start3A_48, %dma_start3A_49] : memref<2x16x2x97x128xi32, #tpu.memory_space<hbm>> -> memref<1x1x2x97x128xi32, #tpu.memory_space<hbm>>
      %dma_start3A_51 = tpu.memref_squeeze %dma_start3A_50 : memref<1x1x2x97x128xi32, #tpu.memory_space<hbm>> -> memref<2x97x128xi32, #tpu.memory_space<hbm>>
      %dma_start3A_52 = arith.constant 0 : i32
      %dma_start3A_53 = arith.constant 0 : i32
      %dma_start3A_54 = arith.constant 0 : i32
      %dma_start3A_55 = tpu.memref_slice %arg3[%arg0, %arg1, %dma_start3A_52, %dma_start3A_53, %dma_start3A_54] : memref<2x16x2x97x128xi32, #tpu.memory_space<hbm>> -> memref<1x1x2x97x128xi32, #tpu.memory_space<hbm>>
      %dma_start3A_56 = tpu.memref_squeeze %dma_start3A_55 : memref<1x1x2x97x128xi32, #tpu.memory_space<hbm>> -> memref<2x97x128xi32, #tpu.memory_space<hbm>>
      tpu.enqueue_dma source(%dma_start3A_56 : memref<2x97x128xi32, #tpu.memory_space<hbm>>) target(%arg5 : memref<2x97x128xi32, #tpu.memory_space<vmem>>) target_semaphore(%run_scoped3A : memref<!tpu.dma_semaphore, #tpu.memory_space<semaphore_mem>>)
      %dma_wait3A = arith.constant 0 : i32
      %dma_wait3A_57 = arith.constant 0 : i32
      %dma_wait3A_58 = arith.constant 0 : i32
      %dma_wait3A_59 = tpu.memref_slice %arg3[%arg0, %arg1, %dma_wait3A, %dma_wait3A_57, %dma_wait3A_58] : memref<2x16x2x97x128xi32, #tpu.memory_space<hbm>> -> memref<1x1x2x97x128xi32, #tpu.memory_space<hbm>>
      %dma_wait3A_60 = tpu.memref_squeeze %dma_wait3A_59 : memref<1x1x2x97x128xi32, #tpu.memory_space<hbm>> -> memref<2x97x128xi32, #tpu.memory_space<hbm>>
      %dma_wait3A_61 = arith.constant 0 : i32
      %dma_wait3A_62 = arith.constant 0 : i32
      %dma_wait3A_63 = arith.constant 0 : i32
      %dma_wait3A_64 = tpu.memref_slice %arg3[%arg0, %arg1, %dma_wait3A_61, %dma_wait3A_62, %dma_wait3A_63] : memref<2x16x2x97x128xi32, #tpu.memory_space<hbm>> -> memref<1x1x2x97x128xi32, #tpu.memory_space<hbm>>
      %dma_wait3A_65 = tpu.memref_squeeze %dma_wait3A_64 : memref<1x1x2x97x128xi32, #tpu.memory_space<hbm>> -> memref<2x97x128xi32, #tpu.memory_space<hbm>>
      tpu.wait_dma2 semaphore(%run_scoped3A : memref<!tpu.dma_semaphore, #tpu.memory_space<semaphore_mem>>) src(%dma_wait3A_65 : memref<2x97x128xi32, #tpu.memory_space<hbm>>) dst(%arg5 : memref<2x97x128xi32, #tpu.memory_space<vmem>>)
      tpu.yield
    }) : () -> ()
    %while3A = arith.constant 0 : i32
    %while3A_18 = arith.constant 0 : i32
    %while3A_19 = arith.subi %select_n3A, %while3A_18 : i32
    %while3A_20 = arith.addi %while3A_18, %while3A_19 : i32
    %while3A_21 = arith.constant 1 : i32
    %while3A_22 = arith.divsi %while3A_19, %while3A_21 : i32
    %while3A_23 = arith.muli %while3A_22, %while3A_21 : i32
    %while3A_24 = arith.addi %while3A_18, %while3A_23 : i32
    %while3A_25 = arith.constant 1 : i32
    scf.for %while3A_48 = %while3A_18 to %while3A_24 step %while3A_25  : i32 {
      %dma_start3A = arith.constant 1 : i32
      %dma_start3A_49 = arith.constant 0 : i32
      %dma_start3A_50 = tpu.memref_slice %arg5[%dma_start3A, %while3A_48, %dma_start3A_49] : memref<2x97x128xi32, #tpu.memory_space<vmem>> -> memref<1x1x128xi32, #tpu.memory_space<vmem>>
      %dma_start3A_51 = tpu.memref_squeeze %dma_start3A_50 : memref<1x1x128xi32, #tpu.memory_space<vmem>> -> memref<128xi32, #tpu.memory_space<vmem>>
      %dma_start3A_52 = arith.constant 0 : i32
      %dma_start3A_53 = arith.constant 0 : i32
      %dma_start3A_54 = tpu.memref_slice %arg2[%dma_start3A_52, %dma_start3A_53] : memref<10000x128xf32, #tpu.memory_space<hbm>> -> memref<10000x128xf32, #tpu.memory_space<hbm>>
      tpu.enqueue_indirect_dma source(%dma_start3A_54 : memref<10000x128xf32, #tpu.memory_space<hbm>>) target(%arg6 : memref<128x128xf32, #tpu.memory_space<vmem>>) offsets(%dma_start3A_51 : memref<128xi32, #tpu.memory_space<vmem>>) semaphore(%arg8 : memref<!tpu.dma_semaphore, #tpu.memory_space<semaphore_mem>>)
      %dma_wait3A = arith.constant 1 : i32
      %dma_wait3A_55 = arith.constant 0 : i32
      %dma_wait3A_56 = tpu.memref_slice %arg5[%dma_wait3A, %while3A_48, %dma_wait3A_55] : memref<2x97x128xi32, #tpu.memory_space<vmem>> -> memref<1x1x128xi32, #tpu.memory_space<vmem>>
      %dma_wait3A_57 = tpu.memref_squeeze %dma_wait3A_56 : memref<1x1x128xi32, #tpu.memory_space<vmem>> -> memref<128xi32, #tpu.memory_space<vmem>>
      %dma_wait3A_58 = arith.constant 0 : i32
      %dma_wait3A_59 = arith.constant 0 : i32
      %dma_wait3A_60 = tpu.memref_slice %arg2[%dma_wait3A_58, %dma_wait3A_59] : memref<10000x128xf32, #tpu.memory_space<hbm>> -> memref<10000x128xf32, #tpu.memory_space<hbm>>
      tpu.wait_indirect_dma semaphore(%arg8 : memref<!tpu.dma_semaphore, #tpu.memory_space<semaphore_mem>>) src(%dma_wait3A_60 : memref<10000x128xf32, #tpu.memory_space<hbm>>) dst(%arg6 : memref<128x128xf32, #tpu.memory_space<vmem>>)
      %run_scoped3A = arith.constant 0 : i32
      "tpu.region"() ({
        %run_scoped3A_61 = tpu.sem_alloc : memref<!tpu.dma_semaphore, #tpu.memory_space<semaphore_mem>>
        %dma_start3A_62 = arith.constant 0 : i32
        %dma_start3A_63 = tpu.memref_slice %arg5[%run_scoped3A, %while3A_48, %dma_start3A_62] : memref<2x97x128xi32, #tpu.memory_space<vmem>> -> memref<1x1x128xi32, #tpu.memory_space<vmem>>
        %dma_start3A_64 = tpu.memref_squeeze %dma_start3A_63 : memref<1x1x128xi32, #tpu.memory_space<vmem>> -> memref<128xi32, #tpu.memory_space<vmem>>
        %dma_start3A_65 = arith.constant 0 : i32
        %dma_start3A_66 = arith.constant 0 : i32
        %dma_start3A_67 = tpu.memref_slice %arg7[%dma_start3A_65, %dma_start3A_66] : memref<10240x128xf32, #tpu.memory_space<vmem_shared>> -> memref<10240x128xf32, #tpu.memory_space<vmem_shared>>
        tpu.enqueue_indirect_dma source(%arg6 : memref<128x128xf32, #tpu.memory_space<vmem>>) target(%dma_start3A_67 : memref<10240x128xf32, #tpu.memory_space<vmem_shared>>) offsets(%dma_start3A_64 : memref<128xi32, #tpu.memory_space<vmem>>) semaphore(%run_scoped3A_61 : memref<!tpu.dma_semaphore, #tpu.memory_space<semaphore_mem>>) {add = true}
        %dma_wait3A_68 = arith.constant 0 : i32
        %dma_wait3A_69 = tpu.memref_slice %arg5[%run_scoped3A, %while3A_48, %dma_wait3A_68] : memref<2x97x128xi32, #tpu.memory_space<vmem>> -> memref<1x1x128xi32, #tpu.memory_space<vmem>>
        %dma_wait3A_70 = tpu.memref_squeeze %dma_wait3A_69 : memref<1x1x128xi32, #tpu.memory_space<vmem>> -> memref<128xi32, #tpu.memory_space<vmem>>
        %dma_wait3A_71 = arith.constant 0 : i32
        %dma_wait3A_72 = arith.constant 0 : i32
        %dma_wait3A_73 = tpu.memref_slice %arg7[%dma_wait3A_71, %dma_wait3A_72] : memref<10240x128xf32, #tpu.memory_space<vmem_shared>> -> memref<10240x128xf32, #tpu.memory_space<vmem_shared>>
        tpu.wait_indirect_dma semaphore(%run_scoped3A_61 : memref<!tpu.dma_semaphore, #tpu.memory_space<semaphore_mem>>) src(%arg6 : memref<128x128xf32, #tpu.memory_space<vmem>>) dst(%dma_wait3A_73 : memref<10240x128xf32, #tpu.memory_space<vmem_shared>>)
        tpu.yield
      }) : () -> ()
    }
    %while3A_26 = arith.constant 1 : i32
    scf.for %while3A_48 = %while3A_24 to %while3A_20 step %while3A_26  : i32 {
      %dma_start3A = arith.constant 1 : i32
      %dma_start3A_49 = arith.constant 0 : i32
      %dma_start3A_50 = tpu.memref_slice %arg5[%dma_start3A, %while3A_48, %dma_start3A_49] : memref<2x97x128xi32, #tpu.memory_space<vmem>> -> memref<1x1x128xi32, #tpu.memory_space<vmem>>
      %dma_start3A_51 = tpu.memref_squeeze %dma_start3A_50 : memref<1x1x128xi32, #tpu.memory_space<vmem>> -> memref<128xi32, #tpu.memory_space<vmem>>
      %dma_start3A_52 = arith.constant 0 : i32
      %dma_start3A_53 = arith.constant 0 : i32
      %dma_start3A_54 = tpu.memref_slice %arg2[%dma_start3A_52, %dma_start3A_53] : memref<10000x128xf32, #tpu.memory_space<hbm>> -> memref<10000x128xf32, #tpu.memory_space<hbm>>
      tpu.enqueue_indirect_dma source(%dma_start3A_54 : memref<10000x128xf32, #tpu.memory_space<hbm>>) target(%arg6 : memref<128x128xf32, #tpu.memory_space<vmem>>) offsets(%dma_start3A_51 : memref<128xi32, #tpu.memory_space<vmem>>) semaphore(%arg8 : memref<!tpu.dma_semaphore, #tpu.memory_space<semaphore_mem>>)
      %dma_wait3A = arith.constant 1 : i32
      %dma_wait3A_55 = arith.constant 0 : i32
      %dma_wait3A_56 = tpu.memref_slice %arg5[%dma_wait3A, %while3A_48, %dma_wait3A_55] : memref<2x97x128xi32, #tpu.memory_space<vmem>> -> memref<1x1x128xi32, #tpu.memory_space<vmem>>
      %dma_wait3A_57 = tpu.memref_squeeze %dma_wait3A_56 : memref<1x1x128xi32, #tpu.memory_space<vmem>> -> memref<128xi32, #tpu.memory_space<vmem>>
      %dma_wait3A_58 = arith.constant 0 : i32
      %dma_wait3A_59 = arith.constant 0 : i32
      %dma_wait3A_60 = tpu.memref_slice %arg2[%dma_wait3A_58, %dma_wait3A_59] : memref<10000x128xf32, #tpu.memory_space<hbm>> -> memref<10000x128xf32, #tpu.memory_space<hbm>>
      tpu.wait_indirect_dma semaphore(%arg8 : memref<!tpu.dma_semaphore, #tpu.memory_space<semaphore_mem>>) src(%dma_wait3A_60 : memref<10000x128xf32, #tpu.memory_space<hbm>>) dst(%arg6 : memref<128x128xf32, #tpu.memory_space<vmem>>)
      %run_scoped3A = arith.constant 0 : i32
      "tpu.region"() ({
        %run_scoped3A_61 = tpu.sem_alloc : memref<!tpu.dma_semaphore, #tpu.memory_space<semaphore_mem>>
        %dma_start3A_62 = arith.constant 0 : i32
        %dma_start3A_63 = tpu.memref_slice %arg5[%run_scoped3A, %while3A_48, %dma_start3A_62] : memref<2x97x128xi32, #tpu.memory_space<vmem>> -> memref<1x1x128xi32, #tpu.memory_space<vmem>>
        %dma_start3A_64 = tpu.memref_squeeze %dma_start3A_63 : memref<1x1x128xi32, #tpu.memory_space<vmem>> -> memref<128xi32, #tpu.memory_space<vmem>>
        %dma_start3A_65 = arith.constant 0 : i32
        %dma_start3A_66 = arith.constant 0 : i32
        %dma_start3A_67 = tpu.memref_slice %arg7[%dma_start3A_65, %dma_start3A_66] : memref<10240x128xf32, #tpu.memory_space<vmem_shared>> -> memref<10240x128xf32, #tpu.memory_space<vmem_shared>>
        tpu.enqueue_indirect_dma source(%arg6 : memref<128x128xf32, #tpu.memory_space<vmem>>) target(%dma_start3A_67 : memref<10240x128xf32, #tpu.memory_space<vmem_shared>>) offsets(%dma_start3A_64 : memref<128xi32, #tpu.memory_space<vmem>>) semaphore(%run_scoped3A_61 : memref<!tpu.dma_semaphore, #tpu.memory_space<semaphore_mem>>) {add = true}
        %dma_wait3A_68 = arith.constant 0 : i32
        %dma_wait3A_69 = tpu.memref_slice %arg5[%run_scoped3A, %while3A_48, %dma_wait3A_68] : memref<2x97x128xi32, #tpu.memory_space<vmem>> -> memref<1x1x128xi32, #tpu.memory_space<vmem>>
        %dma_wait3A_70 = tpu.memref_squeeze %dma_wait3A_69 : memref<1x1x128xi32, #tpu.memory_space<vmem>> -> memref<128xi32, #tpu.memory_space<vmem>>
        %dma_wait3A_71 = arith.constant 0 : i32
        %dma_wait3A_72 = arith.constant 0 : i32
        %dma_wait3A_73 = tpu.memref_slice %arg7[%dma_wait3A_71, %dma_wait3A_72] : memref<10240x128xf32, #tpu.memory_space<vmem_shared>> -> memref<10240x128xf32, #tpu.memory_space<vmem_shared>>
        tpu.wait_indirect_dma semaphore(%run_scoped3A_61 : memref<!tpu.dma_semaphore, #tpu.memory_space<semaphore_mem>>) src(%arg6 : memref<128x128xf32, #tpu.memory_space<vmem>>) dst(%dma_wait3A_73 : memref<10240x128xf32, #tpu.memory_space<vmem_shared>>)
        tpu.yield
      }) : () -> ()
    }
    %barrier3A_27 = arith.constant 0 : index
    tpu.barrier barrier_id(%barrier3A_27)
    %add3A_28 = arith.constant 0 : i32
    %add3A_29 = arith.addi %mul3A_8, %add3A_28 : i32
    "tpu.region"() ({
      %run_scoped3A = tpu.sem_alloc : memref<!tpu.dma_semaphore, #tpu.memory_space<semaphore_mem>>
      %dma_start3A = arith.constant 0 : i32
      %dma_start3A_48 = tpu.memref_slice %arg7[%add3A_29, %dma_start3A] : memref<10240x128xf32, #tpu.memory_space<vmem_shared>> -> memref<128x128xf32, #tpu.memory_space<vmem_shared>>
      %dma_start3A_49 = arith.constant 0 : i32
      %dma_start3A_50 = tpu.memref_slice %arg7[%add3A_29, %dma_start3A_49] : memref<10240x128xf32, #tpu.memory_space<vmem_shared>> -> memref<128x128xf32, #tpu.memory_space<vmem_shared>>
      tpu.enqueue_dma source(%dma_start3A_50 : memref<128x128xf32, #tpu.memory_space<vmem_shared>>) target(%arg6 : memref<128x128xf32, #tpu.memory_space<vmem>>) target_semaphore(%run_scoped3A : memref<!tpu.dma_semaphore, #tpu.memory_space<semaphore_mem>>)
      %dma_wait3A = arith.constant 0 : i32
      %dma_wait3A_51 = tpu.memref_slice %arg7[%add3A_29, %dma_wait3A] : memref<10240x128xf32, #tpu.memory_space<vmem_shared>> -> memref<128x128xf32, #tpu.memory_space<vmem_shared>>
      %dma_wait3A_52 = arith.constant 0 : i32
      %dma_wait3A_53 = tpu.memref_slice %arg7[%add3A_29, %dma_wait3A_52] : memref<10240x128xf32, #tpu.memory_space<vmem_shared>> -> memref<128x128xf32, #tpu.memory_space<vmem_shared>>
      tpu.wait_dma2 semaphore(%run_scoped3A : memref<!tpu.dma_semaphore, #tpu.memory_space<semaphore_mem>>) src(%dma_wait3A_53 : memref<128x128xf32, #tpu.memory_space<vmem_shared>>) dst(%arg6 : memref<128x128xf32, #tpu.memory_space<vmem>>)
      tpu.yield
    }) : () -> ()
    %add3A_30 = arith.constant 0 : i32
    %add3A_31 = arith.addi %mul3A_8, %add3A_30 : i32
    "tpu.region"() ({
      %run_scoped3A = tpu.sem_alloc : memref<!tpu.dma_semaphore, #tpu.memory_space<semaphore_mem>>
      %dma_start3A = arith.constant 0 : i32
      %dma_start3A_48 = tpu.memref_slice %arg4[%arg0, %add3A_31, %dma_start3A] : memref<2x10240x128xf32, #tpu.memory_space<hbm>> -> memref<1x128x128xf32, #tpu.memory_space<hbm>>
      %dma_start3A_49 = tpu.memref_squeeze %dma_start3A_48 : memref<1x128x128xf32, #tpu.memory_space<hbm>> -> memref<128x128xf32, #tpu.memory_space<hbm>>
      %dma_start3A_50 = arith.constant 0 : i32
      %dma_start3A_51 = tpu.memref_slice %arg4[%arg0, %add3A_31, %dma_start3A_50] : memref<2x10240x128xf32, #tpu.memory_space<hbm>> -> memref<1x128x128xf32, #tpu.memory_space<hbm>>
      %dma_start3A_52 = tpu.memref_squeeze %dma_start3A_51 : memref<1x128x128xf32, #tpu.memory_space<hbm>> -> memref<128x128xf32, #tpu.memory_space<hbm>>
      tpu.enqueue_dma source(%arg6 : memref<128x128xf32, #tpu.memory_space<vmem>>) target(%dma_start3A_52 : memref<128x128xf32, #tpu.memory_space<hbm>>) target_semaphore(%run_scoped3A : memref<!tpu.dma_semaphore, #tpu.memory_space<semaphore_mem>>)
      %dma_wait3A = arith.constant 0 : i32
      %dma_wait3A_53 = tpu.memref_slice %arg4[%arg0, %add3A_31, %dma_wait3A] : memref<2x10240x128xf32, #tpu.memory_space<hbm>> -> memref<1x128x128xf32, #tpu.memory_space<hbm>>
      %dma_wait3A_54 = tpu.memref_squeeze %dma_wait3A_53 : memref<1x128x128xf32, #tpu.memory_space<hbm>> -> memref<128x128xf32, #tpu.memory_space<hbm>>
      %dma_wait3A_55 = arith.constant 0 : i32
      %dma_wait3A_56 = tpu.memref_slice %arg4[%arg0, %add3A_31, %dma_wait3A_55] : memref<2x10240x128xf32, #tpu.memory_space<hbm>> -> memref<1x128x128xf32, #tpu.memory_space<hbm>>
      %dma_wait3A_57 = tpu.memref_squeeze %dma_wait3A_56 : memref<1x128x128xf32, #tpu.memory_space<hbm>> -> memref<128x128xf32, #tpu.memory_space<hbm>>
      tpu.wait_dma2 semaphore(%run_scoped3A : memref<!tpu.dma_semaphore, #tpu.memory_space<semaphore_mem>>) src(%arg6 : memref<128x128xf32, #tpu.memory_space<vmem>>) dst(%dma_wait3A_57 : memref<128x128xf32, #tpu.memory_space<hbm>>)
      tpu.yield
    }) : () -> ()
    %add3A_32 = arith.constant 128 : i32
    %add3A_33 = arith.addi %mul3A_8, %add3A_32 : i32
    "tpu.region"() ({
      %run_scoped3A = tpu.sem_alloc : memref<!tpu.dma_semaphore, #tpu.memory_space<semaphore_mem>>
      %dma_start3A = arith.constant 0 : i32
      %dma_start3A_48 = tpu.memref_slice %arg7[%add3A_33, %dma_start3A] : memref<10240x128xf32, #tpu.memory_space<vmem_shared>> -> memref<128x128xf32, #tpu.memory_space<vmem_shared>>
      %dma_start3A_49 = arith.constant 0 : i32
      %dma_start3A_50 = tpu.memref_slice %arg7[%add3A_33, %dma_start3A_49] : memref<10240x128xf32, #tpu.memory_space<vmem_shared>> -> memref<128x128xf32, #tpu.memory_space<vmem_shared>>
      tpu.enqueue_dma source(%dma_start3A_50 : memref<128x128xf32, #tpu.memory_space<vmem_shared>>) target(%arg6 : memref<128x128xf32, #tpu.memory_space<vmem>>) target_semaphore(%run_scoped3A : memref<!tpu.dma_semaphore, #tpu.memory_space<semaphore_mem>>)
      %dma_wait3A = arith.constant 0 : i32
      %dma_wait3A_51 = tpu.memref_slice %arg7[%add3A_33, %dma_wait3A] : memref<10240x128xf32, #tpu.memory_space<vmem_shared>> -> memref<128x128xf32, #tpu.memory_space<vmem_shared>>
      %dma_wait3A_52 = arith.constant 0 : i32
      %dma_wait3A_53 = tpu.memref_slice %arg7[%add3A_33, %dma_wait3A_52] : memref<10240x128xf32, #tpu.memory_space<vmem_shared>> -> memref<128x128xf32, #tpu.memory_space<vmem_shared>>
      tpu.wait_dma2 semaphore(%run_scoped3A : memref<!tpu.dma_semaphore, #tpu.memory_space<semaphore_mem>>) src(%dma_wait3A_53 : memref<128x128xf32, #tpu.memory_space<vmem_shared>>) dst(%arg6 : memref<128x128xf32, #tpu.memory_space<vmem>>)
      tpu.yield
    }) : () -> ()
    %add3A_34 = arith.constant 128 : i32
    %add3A_35 = arith.addi %mul3A_8, %add3A_34 : i32
    "tpu.region"() ({
      %run_scoped3A = tpu.sem_alloc : memref<!tpu.dma_semaphore, #tpu.memory_space<semaphore_mem>>
      %dma_start3A = arith.constant 0 : i32
      %dma_start3A_48 = tpu.memref_slice %arg4[%arg0, %add3A_35, %dma_start3A] : memref<2x10240x128xf32, #tpu.memory_space<hbm>> -> memref<1x128x128xf32, #tpu.memory_space<hbm>>
      %dma_start3A_49 = tpu.memref_squeeze %dma_start3A_48 : memref<1x128x128xf32, #tpu.memory_space<hbm>> -> memref<128x128xf32, #tpu.memory_space<hbm>>
      %dma_start3A_50 = arith.constant 0 : i32
      %dma_start3A_51 = tpu.memref_slice %arg4[%arg0, %add3A_35, %dma_start3A_50] : memref<2x10240x128xf32, #tpu.memory_space<hbm>> -> memref<1x128x128xf32, #tpu.memory_space<hbm>>
      %dma_start3A_52 = tpu.memref_squeeze %dma_start3A_51 : memref<1x128x128xf32, #tpu.memory_space<hbm>> -> memref<128x128xf32, #tpu.memory_space<hbm>>
      tpu.enqueue_dma source(%arg6 : memref<128x128xf32, #tpu.memory_space<vmem>>) target(%dma_start3A_52 : memref<128x128xf32, #tpu.memory_space<hbm>>) target_semaphore(%run_scoped3A : memref<!tpu.dma_semaphore, #tpu.memory_space<semaphore_mem>>)
      %dma_wait3A = arith.constant 0 : i32
      %dma_wait3A_53 = tpu.memref_slice %arg4[%arg0, %add3A_35, %dma_wait3A] : memref<2x10240x128xf32, #tpu.memory_space<hbm>> -> memref<1x128x128xf32, #tpu.memory_space<hbm>>
      %dma_wait3A_54 = tpu.memref_squeeze %dma_wait3A_53 : memref<1x128x128xf32, #tpu.memory_space<hbm>> -> memref<128x128xf32, #tpu.memory_space<hbm>>
      %dma_wait3A_55 = arith.constant 0 : i32
      %dma_wait3A_56 = tpu.memref_slice %arg4[%arg0, %add3A_35, %dma_wait3A_55] : memref<2x10240x128xf32, #tpu.memory_space<hbm>> -> memref<1x128x128xf32, #tpu.memory_space<hbm>>
      %dma_wait3A_57 = tpu.memref_squeeze %dma_wait3A_56 : memref<1x128x128xf32, #tpu.memory_space<hbm>> -> memref<128x128xf32, #tpu.memory_space<hbm>>
      tpu.wait_dma2 semaphore(%run_scoped3A : memref<!tpu.dma_semaphore, #tpu.memory_space<semaphore_mem>>) src(%arg6 : memref<128x128xf32, #tpu.memory_space<vmem>>) dst(%dma_wait3A_57 : memref<128x128xf32, #tpu.memory_space<hbm>>)
      tpu.yield
    }) : () -> ()
    %add3A_36 = arith.constant 256 : i32
    %add3A_37 = arith.addi %mul3A_8, %add3A_36 : i32
    "tpu.region"() ({
      %run_scoped3A = tpu.sem_alloc : memref<!tpu.dma_semaphore, #tpu.memory_space<semaphore_mem>>
      %dma_start3A = arith.constant 0 : i32
      %dma_start3A_48 = tpu.memref_slice %arg7[%add3A_37, %dma_start3A] : memref<10240x128xf32, #tpu.memory_space<vmem_shared>> -> memref<128x128xf32, #tpu.memory_space<vmem_shared>>
      %dma_start3A_49 = arith.constant 0 : i32
      %dma_start3A_50 = tpu.memref_slice %arg7[%add3A_37, %dma_start3A_49] : memref<10240x128xf32, #tpu.memory_space<vmem_shared>> -> memref<128x128xf32, #tpu.memory_space<vmem_shared>>
      tpu.enqueue_dma source(%dma_start3A_50 : memref<128x128xf32, #tpu.memory_space<vmem_shared>>) target(%arg6 : memref<128x128xf32, #tpu.memory_space<vmem>>) target_semaphore(%run_scoped3A : memref<!tpu.dma_semaphore, #tpu.memory_space<semaphore_mem>>)
      %dma_wait3A = arith.constant 0 : i32
      %dma_wait3A_51 = tpu.memref_slice %arg7[%add3A_37, %dma_wait3A] : memref<10240x128xf32, #tpu.memory_space<vmem_shared>> -> memref<128x128xf32, #tpu.memory_space<vmem_shared>>
      %dma_wait3A_52 = arith.constant 0 : i32
      %dma_wait3A_53 = tpu.memref_slice %arg7[%add3A_37, %dma_wait3A_52] : memref<10240x128xf32, #tpu.memory_space<vmem_shared>> -> memref<128x128xf32, #tpu.memory_space<vmem_shared>>
      tpu.wait_dma2 semaphore(%run_scoped3A : memref<!tpu.dma_semaphore, #tpu.memory_space<semaphore_mem>>) src(%dma_wait3A_53 : memref<128x128xf32, #tpu.memory_space<vmem_shared>>) dst(%arg6 : memref<128x128xf32, #tpu.memory_space<vmem>>)
      tpu.yield
    }) : () -> ()
    %add3A_38 = arith.constant 256 : i32
    %add3A_39 = arith.addi %mul3A_8, %add3A_38 : i32
    "tpu.region"() ({
      %run_scoped3A = tpu.sem_alloc : memref<!tpu.dma_semaphore, #tpu.memory_space<semaphore_mem>>
      %dma_start3A = arith.constant 0 : i32
      %dma_start3A_48 = tpu.memref_slice %arg4[%arg0, %add3A_39, %dma_start3A] : memref<2x10240x128xf32, #tpu.memory_space<hbm>> -> memref<1x128x128xf32, #tpu.memory_space<hbm>>
      %dma_start3A_49 = tpu.memref_squeeze %dma_start3A_48 : memref<1x128x128xf32, #tpu.memory_space<hbm>> -> memref<128x128xf32, #tpu.memory_space<hbm>>
      %dma_start3A_50 = arith.constant 0 : i32
      %dma_start3A_51 = tpu.memref_slice %arg4[%arg0, %add3A_39, %dma_start3A_50] : memref<2x10240x128xf32, #tpu.memory_space<hbm>> -> memref<1x128x128xf32, #tpu.memory_space<hbm>>
      %dma_start3A_52 = tpu.memref_squeeze %dma_start3A_51 : memref<1x128x128xf32, #tpu.memory_space<hbm>> -> memref<128x128xf32, #tpu.memory_space<hbm>>
      tpu.enqueue_dma source(%arg6 : memref<128x128xf32, #tpu.memory_space<vmem>>) target(%dma_start3A_52 : memref<128x128xf32, #tpu.memory_space<hbm>>) target_semaphore(%run_scoped3A : memref<!tpu.dma_semaphore, #tpu.memory_space<semaphore_mem>>)
      %dma_wait3A = arith.constant 0 : i32
      %dma_wait3A_53 = tpu.memref_slice %arg4[%arg0, %add3A_39, %dma_wait3A] : memref<2x10240x128xf32, #tpu.memory_space<hbm>> -> memref<1x128x128xf32, #tpu.memory_space<hbm>>
      %dma_wait3A_54 = tpu.memref_squeeze %dma_wait3A_53 : memref<1x128x128xf32, #tpu.memory_space<hbm>> -> memref<128x128xf32, #tpu.memory_space<hbm>>
      %dma_wait3A_55 = arith.constant 0 : i32
      %dma_wait3A_56 = tpu.memref_slice %arg4[%arg0, %add3A_39, %dma_wait3A_55] : memref<2x10240x128xf32, #tpu.memory_space<hbm>> -> memref<1x128x128xf32, #tpu.memory_space<hbm>>
      %dma_wait3A_57 = tpu.memref_squeeze %dma_wait3A_56 : memref<1x128x128xf32, #tpu.memory_space<hbm>> -> memref<128x128xf32, #tpu.memory_space<hbm>>
      tpu.wait_dma2 semaphore(%run_scoped3A : memref<!tpu.dma_semaphore, #tpu.memory_space<semaphore_mem>>) src(%arg6 : memref<128x128xf32, #tpu.memory_space<vmem>>) dst(%dma_wait3A_57 : memref<128x128xf32, #tpu.memory_space<hbm>>)
      tpu.yield
    }) : () -> ()
    %add3A_40 = arith.constant 384 : i32
    %add3A_41 = arith.addi %mul3A_8, %add3A_40 : i32
    "tpu.region"() ({
      %run_scoped3A = tpu.sem_alloc : memref<!tpu.dma_semaphore, #tpu.memory_space<semaphore_mem>>
      %dma_start3A = arith.constant 0 : i32
      %dma_start3A_48 = tpu.memref_slice %arg7[%add3A_41, %dma_start3A] : memref<10240x128xf32, #tpu.memory_space<vmem_shared>> -> memref<128x128xf32, #tpu.memory_space<vmem_shared>>
      %dma_start3A_49 = arith.constant 0 : i32
      %dma_start3A_50 = tpu.memref_slice %arg7[%add3A_41, %dma_start3A_49] : memref<10240x128xf32, #tpu.memory_space<vmem_shared>> -> memref<128x128xf32, #tpu.memory_space<vmem_shared>>
      tpu.enqueue_dma source(%dma_start3A_50 : memref<128x128xf32, #tpu.memory_space<vmem_shared>>) target(%arg6 : memref<128x128xf32, #tpu.memory_space<vmem>>) target_semaphore(%run_scoped3A : memref<!tpu.dma_semaphore, #tpu.memory_space<semaphore_mem>>)
      %dma_wait3A = arith.constant 0 : i32
      %dma_wait3A_51 = tpu.memref_slice %arg7[%add3A_41, %dma_wait3A] : memref<10240x128xf32, #tpu.memory_space<vmem_shared>> -> memref<128x128xf32, #tpu.memory_space<vmem_shared>>
      %dma_wait3A_52 = arith.constant 0 : i32
      %dma_wait3A_53 = tpu.memref_slice %arg7[%add3A_41, %dma_wait3A_52] : memref<10240x128xf32, #tpu.memory_space<vmem_shared>> -> memref<128x128xf32, #tpu.memory_space<vmem_shared>>
      tpu.wait_dma2 semaphore(%run_scoped3A : memref<!tpu.dma_semaphore, #tpu.memory_space<semaphore_mem>>) src(%dma_wait3A_53 : memref<128x128xf32, #tpu.memory_space<vmem_shared>>) dst(%arg6 : memref<128x128xf32, #tpu.memory_space<vmem>>)
      tpu.yield
    }) : () -> ()
    %add3A_42 = arith.constant 384 : i32
    %add3A_43 = arith.addi %mul3A_8, %add3A_42 : i32
    "tpu.region"() ({
      %run_scoped3A = tpu.sem_alloc : memref<!tpu.dma_semaphore, #tpu.memory_space<semaphore_mem>>
      %dma_start3A = arith.constant 0 : i32
      %dma_start3A_48 = tpu.memref_slice %arg4[%arg0, %add3A_43, %dma_start3A] : memref<2x10240x128xf32, #tpu.memory_space<hbm>> -> memref<1x128x128xf32, #tpu.memory_space<hbm>>
      %dma_start3A_49 = tpu.memref_squeeze %dma_start3A_48 : memref<1x128x128xf32, #tpu.memory_space<hbm>> -> memref<128x128xf32, #tpu.memory_space<hbm>>
      %dma_start3A_50 = arith.constant 0 : i32
      %dma_start3A_51 = tpu.memref_slice %arg4[%arg0, %add3A_43, %dma_start3A_50] : memref<2x10240x128xf32, #tpu.memory_space<hbm>> -> memref<1x128x128xf32, #tpu.memory_space<hbm>>
      %dma_start3A_52 = tpu.memref_squeeze %dma_start3A_51 : memref<1x128x128xf32, #tpu.memory_space<hbm>> -> memref<128x128xf32, #tpu.memory_space<hbm>>
      tpu.enqueue_dma source(%arg6 : memref<128x128xf32, #tpu.memory_space<vmem>>) target(%dma_start3A_52 : memref<128x128xf32, #tpu.memory_space<hbm>>) target_semaphore(%run_scoped3A : memref<!tpu.dma_semaphore, #tpu.memory_space<semaphore_mem>>)
      %dma_wait3A = arith.constant 0 : i32
      %dma_wait3A_53 = tpu.memref_slice %arg4[%arg0, %add3A_43, %dma_wait3A] : memref<2x10240x128xf32, #tpu.memory_space<hbm>> -> memref<1x128x128xf32, #tpu.memory_space<hbm>>
      %dma_wait3A_54 = tpu.memref_squeeze %dma_wait3A_53 : memref<1x128x128xf32, #tpu.memory_space<hbm>> -> memref<128x128xf32, #tpu.memory_space<hbm>>
      %dma_wait3A_55 = arith.constant 0 : i32
      %dma_wait3A_56 = tpu.memref_slice %arg4[%arg0, %add3A_43, %dma_wait3A_55] : memref<2x10240x128xf32, #tpu.memory_space<hbm>> -> memref<1x128x128xf32, #tpu.memory_space<hbm>>
      %dma_wait3A_57 = tpu.memref_squeeze %dma_wait3A_56 : memref<1x128x128xf32, #tpu.memory_space<hbm>> -> memref<128x128xf32, #tpu.memory_space<hbm>>
      tpu.wait_dma2 semaphore(%run_scoped3A : memref<!tpu.dma_semaphore, #tpu.memory_space<semaphore_mem>>) src(%arg6 : memref<128x128xf32, #tpu.memory_space<vmem>>) dst(%dma_wait3A_57 : memref<128x128xf32, #tpu.memory_space<hbm>>)
      tpu.yield
    }) : () -> ()
    %add3A_44 = arith.constant 512 : i32
    %add3A_45 = arith.addi %mul3A_8, %add3A_44 : i32
    "tpu.region"() ({
      %run_scoped3A = tpu.sem_alloc : memref<!tpu.dma_semaphore, #tpu.memory_space<semaphore_mem>>
      %dma_start3A = arith.constant 0 : i32
      %dma_start3A_48 = tpu.memref_slice %arg7[%add3A_45, %dma_start3A] : memref<10240x128xf32, #tpu.memory_space<vmem_shared>> -> memref<128x128xf32, #tpu.memory_space<vmem_shared>>
      %dma_start3A_49 = arith.constant 0 : i32
      %dma_start3A_50 = tpu.memref_slice %arg7[%add3A_45, %dma_start3A_49] : memref<10240x128xf32, #tpu.memory_space<vmem_shared>> -> memref<128x128xf32, #tpu.memory_space<vmem_shared>>
      tpu.enqueue_dma source(%dma_start3A_50 : memref<128x128xf32, #tpu.memory_space<vmem_shared>>) target(%arg6 : memref<128x128xf32, #tpu.memory_space<vmem>>) target_semaphore(%run_scoped3A : memref<!tpu.dma_semaphore, #tpu.memory_space<semaphore_mem>>)
      %dma_wait3A = arith.constant 0 : i32
      %dma_wait3A_51 = tpu.memref_slice %arg7[%add3A_45, %dma_wait3A] : memref<10240x128xf32, #tpu.memory_space<vmem_shared>> -> memref<128x128xf32, #tpu.memory_space<vmem_shared>>
      %dma_wait3A_52 = arith.constant 0 : i32
      %dma_wait3A_53 = tpu.memref_slice %arg7[%add3A_45, %dma_wait3A_52] : memref<10240x128xf32, #tpu.memory_space<vmem_shared>> -> memref<128x128xf32, #tpu.memory_space<vmem_shared>>
      tpu.wait_dma2 semaphore(%run_scoped3A : memref<!tpu.dma_semaphore, #tpu.memory_space<semaphore_mem>>) src(%dma_wait3A_53 : memref<128x128xf32, #tpu.memory_space<vmem_shared>>) dst(%arg6 : memref<128x128xf32, #tpu.memory_space<vmem>>)
      tpu.yield
    }) : () -> ()
    %add3A_46 = arith.constant 512 : i32
    %add3A_47 = arith.addi %mul3A_8, %add3A_46 : i32
    "tpu.region"() ({
      %run_scoped3A = tpu.sem_alloc : memref<!tpu.dma_semaphore, #tpu.memory_space<semaphore_mem>>
      %dma_start3A = arith.constant 0 : i32
      %dma_start3A_48 = tpu.memref_slice %arg4[%arg0, %add3A_47, %dma_start3A] : memref<2x10240x128xf32, #tpu.memory_space<hbm>> -> memref<1x128x128xf32, #tpu.memory_space<hbm>>
      %dma_start3A_49 = tpu.memref_squeeze %dma_start3A_48 : memref<1x128x128xf32, #tpu.memory_space<hbm>> -> memref<128x128xf32, #tpu.memory_space<hbm>>
      %dma_start3A_50 = arith.constant 0 : i32
      %dma_start3A_51 = tpu.memref_slice %arg4[%arg0, %add3A_47, %dma_start3A_50] : memref<2x10240x128xf32, #tpu.memory_space<hbm>> -> memref<1x128x128xf32, #tpu.memory_space<hbm>>
      %dma_start3A_52 = tpu.memref_squeeze %dma_start3A_51 : memref<1x128x128xf32, #tpu.memory_space<hbm>> -> memref<128x128xf32, #tpu.memory_space<hbm>>
      tpu.enqueue_dma source(%arg6 : memref<128x128xf32, #tpu.memory_space<vmem>>) target(%dma_start3A_52 : memref<128x128xf32, #tpu.memory_space<hbm>>) target_semaphore(%run_scoped3A : memref<!tpu.dma_semaphore, #tpu.memory_space<semaphore_mem>>)
      %dma_wait3A = arith.constant 0 : i32
      %dma_wait3A_53 = tpu.memref_slice %arg4[%arg0, %add3A_47, %dma_wait3A] : memref<2x10240x128xf32, #tpu.memory_space<hbm>> -> memref<1x128x128xf32, #tpu.memory_space<hbm>>
      %dma_wait3A_54 = tpu.memref_squeeze %dma_wait3A_53 : memref<1x128x128xf32, #tpu.memory_space<hbm>> -> memref<128x128xf32, #tpu.memory_space<hbm>>
      %dma_wait3A_55 = arith.constant 0 : i32
      %dma_wait3A_56 = tpu.memref_slice %arg4[%arg0, %add3A_47, %dma_wait3A_55] : memref<2x10240x128xf32, #tpu.memory_space<hbm>> -> memref<1x128x128xf32, #tpu.memory_space<hbm>>
      %dma_wait3A_57 = tpu.memref_squeeze %dma_wait3A_56 : memref<1x128x128xf32, #tpu.memory_space<hbm>> -> memref<128x128xf32, #tpu.memory_space<hbm>>
      tpu.wait_dma2 semaphore(%run_scoped3A : memref<!tpu.dma_semaphore, #tpu.memory_space<semaphore_mem>>) src(%arg6 : memref<128x128xf32, #tpu.memory_space<vmem>>) dst(%dma_wait3A_57 : memref<128x128xf32, #tpu.memory_space<hbm>>)
      tpu.yield
    }) : () -> ()
    return
  }
}

module attributes {stable_mosaic.version = 14 : i64} {
  func.func @_dense_layer_body(%arg0: memref<10000x128xf32, #tpu.memory_space<vmem>>, %arg1: memref<10000x128xf32, #tpu.memory_space<vmem>>, %arg2: memref<10000x128xf32, #tpu.memory_space<vmem>>, %arg3: memref<128x128xf32, #tpu.memory_space<vmem>>, %arg4: memref<1x128xf32, #tpu.memory_space<vmem>>, %arg5: memref<1x128xf32, #tpu.memory_space<vmem>>, %arg6: memref<1x128xf32, #tpu.memory_space<vmem>>, %arg7: memref<128x128xf32, #tpu.memory_space<vmem>>, %arg8: memref<1x128xf32, #tpu.memory_space<vmem>>, %arg9: memref<1x128xf32, #tpu.memory_space<vmem>>, %arg10: memref<1x128xf32, #tpu.memory_space<vmem>>, %arg11: memref<10000x128xf32, #tpu.memory_space<vmem>>) attributes {dimension_semantics = [], scalar_prefetch = 0 : i64, scratch_operands = 0 : i64, tpu.core_type = #tpu.core_type<tc>} {
    %get3A = arith.constant 0 : index
    %get3A_0 = arith.constant 0 : index
    %get3A_1 = vector.load %arg0[%get3A, %get3A_0] : memref<10000x128xf32, #tpu.memory_space<vmem>>, vector<10000x128xf32>
    %get3A_2 = arith.constant 0 : index
    %get3A_3 = arith.constant 0 : index
    %get3A_4 = vector.load %arg1[%get3A_2, %get3A_3] : memref<10000x128xf32, #tpu.memory_space<vmem>>, vector<10000x128xf32>
    %add3A = arith.addf %get3A_1, %get3A_4 : vector<10000x128xf32>
    %get3A_5 = arith.constant 0 : index
    %get3A_6 = arith.constant 0 : index
    %get3A_7 = vector.load %arg2[%get3A_5, %get3A_6] : memref<10000x128xf32, #tpu.memory_space<vmem>>, vector<10000x128xf32>
    %add3A_8 = arith.addf %add3A, %get3A_7 : vector<10000x128xf32>
    %get3A_9 = arith.constant 0 : index
    %get3A_10 = arith.constant 0 : index
    %get3A_11 = vector.load %arg3[%get3A_9, %get3A_10] : memref<128x128xf32, #tpu.memory_space<vmem>>, vector<128x128xf32>
    %dot_general3A = arith.constant dense<0.000000e+00> : vector<10000x128xf32>
    %dot_general3A_12 = tpu.matmul %add3A_8, %get3A_11, %dot_general3A {dimension_numbers = #tpu.dot_dimension_numbers<[1], [0], [0], [1], [0, 0, 1, 1], [], []>, transpose_lhs_hint = false} : vector<10000x128xf32>, vector<128x128xf32>, vector<10000x128xf32> -> vector<10000x128xf32>
    %get3A_13 = arith.constant 0 : index
    %get3A_14 = arith.constant 0 : index
    %get3A_15 = vector.load %arg4[%get3A_13, %get3A_14] : memref<1x128xf32, #tpu.memory_space<vmem>>, vector<1x128xf32>
    %add3A_16 = vector.broadcast %get3A_15 : vector<1x128xf32> to vector<10000x128xf32>
    %add3A_17 = arith.addf %dot_general3A_12, %add3A_16 : vector<10000x128xf32>
    %get3A_18 = arith.constant 0 : index
    %get3A_19 = arith.constant 0 : index
    %get3A_20 = vector.load %arg5[%get3A_18, %get3A_19] : memref<1x128xf32, #tpu.memory_space<vmem>>, vector<1x128xf32>
    %get3A_21 = arith.constant 0 : index
    %get3A_22 = arith.constant 0 : index
    %get3A_23 = vector.load %arg6[%get3A_21, %get3A_22] : memref<1x128xf32, #tpu.memory_space<vmem>>, vector<1x128xf32>
    %reduce_sum3A = arith.constant dense<0.000000e+00> : vector<128xf32>
    %reduce_sum3A_24 = vector.multi_reduction <add>, %add3A_17, %reduce_sum3A [0] : vector<10000x128xf32> to vector<128xf32>
    %broadcast_in_dim3A = vector.shape_cast %reduce_sum3A_24 : vector<128xf32> to vector<1x128xf32>
    %div3A = arith.constant 1.000000e+04 : f32
    %div3A_25 = vector.broadcast %div3A : f32 to vector<1x128xf32>
    %div3A_26 = arith.divf %broadcast_in_dim3A, %div3A_25 : vector<1x128xf32>
    %sub3A = vector.broadcast %div3A_26 : vector<1x128xf32> to vector<10000x128xf32>
    %sub3A_27 = arith.subf %add3A_17, %sub3A : vector<10000x128xf32>
    %integer_pow3A = arith.mulf %sub3A_27, %sub3A_27 : vector<10000x128xf32>
    %reduce_sum3A_28 = arith.constant dense<0.000000e+00> : vector<128xf32>
    %reduce_sum3A_29 = vector.multi_reduction <add>, %integer_pow3A, %reduce_sum3A_28 [0] : vector<10000x128xf32> to vector<128xf32>
    %broadcast_in_dim3A_30 = vector.shape_cast %reduce_sum3A_29 : vector<128xf32> to vector<1x128xf32>
    %div3A_31 = arith.constant 1.000000e+04 : f32
    %div3A_32 = vector.broadcast %div3A_31 : f32 to vector<1x128xf32>
    %div3A_33 = arith.divf %broadcast_in_dim3A_30, %div3A_32 : vector<1x128xf32>
    %sub3A_34 = vector.broadcast %div3A_26 : vector<1x128xf32> to vector<10000x128xf32>
    %sub3A_35 = arith.subf %add3A_17, %sub3A_34 : vector<10000x128xf32>
    %add3A_36 = arith.constant 9.99999974E-6 : f32
    %add3A_37 = vector.broadcast %add3A_36 : f32 to vector<1x128xf32>
    %add3A_38 = arith.addf %div3A_33, %add3A_37 : vector<1x128xf32>
    %rsqrt3A = math.rsqrt %add3A_38 : vector<1x128xf32>
    %mul3A = vector.broadcast %rsqrt3A : vector<1x128xf32> to vector<10000x128xf32>
    %mul3A_39 = arith.mulf %sub3A_35, %mul3A : vector<10000x128xf32>
    %mul3A_40 = vector.broadcast %get3A_20 : vector<1x128xf32> to vector<10000x128xf32>
    %mul3A_41 = arith.mulf %mul3A_39, %mul3A_40 : vector<10000x128xf32>
    %add3A_42 = vector.broadcast %get3A_23 : vector<1x128xf32> to vector<10000x128xf32>
    %add3A_43 = arith.addf %mul3A_41, %add3A_42 : vector<10000x128xf32>
    %max3A = arith.constant 0.000000e+00 : f32
    %max3A_44 = vector.broadcast %max3A : f32 to vector<10000x128xf32>
    %max3A_45 = arith.maximumf %add3A_43, %max3A_44 : vector<10000x128xf32>
    %get3A_46 = arith.constant 0 : index
    %get3A_47 = arith.constant 0 : index
    %get3A_48 = vector.load %arg7[%get3A_46, %get3A_47] : memref<128x128xf32, #tpu.memory_space<vmem>>, vector<128x128xf32>
    %dot_general3A_49 = arith.constant dense<0.000000e+00> : vector<10000x128xf32>
    %dot_general3A_50 = tpu.matmul %max3A_45, %get3A_48, %dot_general3A_49 {dimension_numbers = #tpu.dot_dimension_numbers<[1], [0], [0], [1], [0, 0, 1, 1], [], []>, transpose_lhs_hint = false} : vector<10000x128xf32>, vector<128x128xf32>, vector<10000x128xf32> -> vector<10000x128xf32>
    %get3A_51 = arith.constant 0 : index
    %get3A_52 = arith.constant 0 : index
    %get3A_53 = vector.load %arg8[%get3A_51, %get3A_52] : memref<1x128xf32, #tpu.memory_space<vmem>>, vector<1x128xf32>
    %add3A_54 = vector.broadcast %get3A_53 : vector<1x128xf32> to vector<10000x128xf32>
    %add3A_55 = arith.addf %dot_general3A_50, %add3A_54 : vector<10000x128xf32>
    %get3A_56 = arith.constant 0 : index
    %get3A_57 = arith.constant 0 : index
    %get3A_58 = vector.load %arg9[%get3A_56, %get3A_57] : memref<1x128xf32, #tpu.memory_space<vmem>>, vector<1x128xf32>
    %get3A_59 = arith.constant 0 : index
    %get3A_60 = arith.constant 0 : index
    %get3A_61 = vector.load %arg10[%get3A_59, %get3A_60] : memref<1x128xf32, #tpu.memory_space<vmem>>, vector<1x128xf32>
    %reduce_sum3A_62 = arith.constant dense<0.000000e+00> : vector<128xf32>
    %reduce_sum3A_63 = vector.multi_reduction <add>, %add3A_55, %reduce_sum3A_62 [0] : vector<10000x128xf32> to vector<128xf32>
    %broadcast_in_dim3A_64 = vector.shape_cast %reduce_sum3A_63 : vector<128xf32> to vector<1x128xf32>
    %div3A_65 = arith.constant 1.000000e+04 : f32
    %div3A_66 = vector.broadcast %div3A_65 : f32 to vector<1x128xf32>
    %div3A_67 = arith.divf %broadcast_in_dim3A_64, %div3A_66 : vector<1x128xf32>
    %sub3A_68 = vector.broadcast %div3A_67 : vector<1x128xf32> to vector<10000x128xf32>
    %sub3A_69 = arith.subf %add3A_55, %sub3A_68 : vector<10000x128xf32>
    %integer_pow3A_70 = arith.mulf %sub3A_69, %sub3A_69 : vector<10000x128xf32>
    %reduce_sum3A_71 = arith.constant dense<0.000000e+00> : vector<128xf32>
    %reduce_sum3A_72 = vector.multi_reduction <add>, %integer_pow3A_70, %reduce_sum3A_71 [0] : vector<10000x128xf32> to vector<128xf32>
    %broadcast_in_dim3A_73 = vector.shape_cast %reduce_sum3A_72 : vector<128xf32> to vector<1x128xf32>
    %div3A_74 = arith.constant 1.000000e+04 : f32
    %div3A_75 = vector.broadcast %div3A_74 : f32 to vector<1x128xf32>
    %div3A_76 = arith.divf %broadcast_in_dim3A_73, %div3A_75 : vector<1x128xf32>
    %sub3A_77 = vector.broadcast %div3A_67 : vector<1x128xf32> to vector<10000x128xf32>
    %sub3A_78 = arith.subf %add3A_55, %sub3A_77 : vector<10000x128xf32>
    %add3A_79 = arith.constant 9.99999974E-6 : f32
    %add3A_80 = vector.broadcast %add3A_79 : f32 to vector<1x128xf32>
    %add3A_81 = arith.addf %div3A_76, %add3A_80 : vector<1x128xf32>
    %rsqrt3A_82 = math.rsqrt %add3A_81 : vector<1x128xf32>
    %mul3A_83 = vector.broadcast %rsqrt3A_82 : vector<1x128xf32> to vector<10000x128xf32>
    %mul3A_84 = arith.mulf %sub3A_78, %mul3A_83 : vector<10000x128xf32>
    %mul3A_85 = vector.broadcast %get3A_58 : vector<1x128xf32> to vector<10000x128xf32>
    %mul3A_86 = arith.mulf %mul3A_84, %mul3A_85 : vector<10000x128xf32>
    %add3A_87 = vector.broadcast %get3A_61 : vector<1x128xf32> to vector<10000x128xf32>
    %add3A_88 = arith.addf %mul3A_86, %add3A_87 : vector<10000x128xf32>
    %max3A_89 = arith.constant 0.000000e+00 : f32
    %max3A_90 = vector.broadcast %max3A_89 : f32 to vector<10000x128xf32>
    %max3A_91 = arith.maximumf %add3A_88, %max3A_90 : vector<10000x128xf32>
    %swap3A = arith.constant 0 : index
    %swap3A_92 = arith.constant 0 : index
    %swap3A_93 = vector.load %arg11[%swap3A, %swap3A_92] : memref<10000x128xf32, #tpu.memory_space<vmem>>, vector<10000x128xf32>
    tpu.vector_store %arg11[%swap3A, %swap3A_92], %max3A_91 {strides = array<i32>} : memref<10000x128xf32, #tpu.memory_space<vmem>>, vector<10000x128xf32>,
    return
  }
}

module attributes {stable_mosaic.version = 14 : i64} {
  func.func @_dense_pred_body(%arg0: memref<10000x128xf32, #tpu.memory_space<vmem>>, %arg1: memref<10000x128xf32, #tpu.memory_space<vmem>>, %arg2: memref<10000x128xf32, #tpu.memory_space<vmem>>, %arg3: memref<128x128xf32, #tpu.memory_space<vmem>>, %arg4: memref<1x128xf32, #tpu.memory_space<vmem>>, %arg5: memref<1x128xf32, #tpu.memory_space<vmem>>, %arg6: memref<1x128xf32, #tpu.memory_space<vmem>>, %arg7: memref<128x128xf32, #tpu.memory_space<vmem>>, %arg8: memref<1x128xf32, #tpu.memory_space<vmem>>, %arg9: memref<1x128xf32, #tpu.memory_space<vmem>>, %arg10: memref<1x128xf32, #tpu.memory_space<vmem>>, %arg11: memref<10000x128xf32, #tpu.memory_space<vmem>>, %arg12: memref<128x32xf32, #tpu.memory_space<vmem>>, %arg13: memref<128x32xf32, #tpu.memory_space<vmem>>, %arg14: memref<128x32xf32, #tpu.memory_space<vmem>>, %arg15: memref<1x32xf32, #tpu.memory_space<vmem>>, %arg16: memref<10000x32xf32, #tpu.memory_space<vmem>>) attributes {dimension_semantics = [], scalar_prefetch = 0 : i64, scratch_operands = 0 : i64, tpu.core_type = #tpu.core_type<tc>} {
    %get3A = arith.constant 0 : index
    %get3A_0 = arith.constant 0 : index
    %get3A_1 = vector.load %arg0[%get3A, %get3A_0] : memref<10000x128xf32, #tpu.memory_space<vmem>>, vector<10000x128xf32>
    %get3A_2 = arith.constant 0 : index
    %get3A_3 = arith.constant 0 : index
    %get3A_4 = vector.load %arg1[%get3A_2, %get3A_3] : memref<10000x128xf32, #tpu.memory_space<vmem>>, vector<10000x128xf32>
    %add3A = arith.addf %get3A_1, %get3A_4 : vector<10000x128xf32>
    %get3A_5 = arith.constant 0 : index
    %get3A_6 = arith.constant 0 : index
    %get3A_7 = vector.load %arg2[%get3A_5, %get3A_6] : memref<10000x128xf32, #tpu.memory_space<vmem>>, vector<10000x128xf32>
    %add3A_8 = arith.addf %add3A, %get3A_7 : vector<10000x128xf32>
    %get3A_9 = arith.constant 0 : index
    %get3A_10 = arith.constant 0 : index
    %get3A_11 = vector.load %arg3[%get3A_9, %get3A_10] : memref<128x128xf32, #tpu.memory_space<vmem>>, vector<128x128xf32>
    %dot_general3A = arith.constant dense<0.000000e+00> : vector<10000x128xf32>
    %dot_general3A_12 = tpu.matmul %add3A_8, %get3A_11, %dot_general3A {dimension_numbers = #tpu.dot_dimension_numbers<[1], [0], [0], [1], [0, 0, 1, 1], [], []>, transpose_lhs_hint = false} : vector<10000x128xf32>, vector<128x128xf32>, vector<10000x128xf32> -> vector<10000x128xf32>
    %get3A_13 = arith.constant 0 : index
    %get3A_14 = arith.constant 0 : index
    %get3A_15 = vector.load %arg4[%get3A_13, %get3A_14] : memref<1x128xf32, #tpu.memory_space<vmem>>, vector<1x128xf32>
    %add3A_16 = vector.broadcast %get3A_15 : vector<1x128xf32> to vector<10000x128xf32>
    %add3A_17 = arith.addf %dot_general3A_12, %add3A_16 : vector<10000x128xf32>
    %get3A_18 = arith.constant 0 : index
    %get3A_19 = arith.constant 0 : index
    %get3A_20 = vector.load %arg5[%get3A_18, %get3A_19] : memref<1x128xf32, #tpu.memory_space<vmem>>, vector<1x128xf32>
    %get3A_21 = arith.constant 0 : index
    %get3A_22 = arith.constant 0 : index
    %get3A_23 = vector.load %arg6[%get3A_21, %get3A_22] : memref<1x128xf32, #tpu.memory_space<vmem>>, vector<1x128xf32>
    %reduce_sum3A = arith.constant dense<0.000000e+00> : vector<128xf32>
    %reduce_sum3A_24 = vector.multi_reduction <add>, %add3A_17, %reduce_sum3A [0] : vector<10000x128xf32> to vector<128xf32>
    %broadcast_in_dim3A = vector.shape_cast %reduce_sum3A_24 : vector<128xf32> to vector<1x128xf32>
    %div3A = arith.constant 1.000000e+04 : f32
    %div3A_25 = vector.broadcast %div3A : f32 to vector<1x128xf32>
    %div3A_26 = arith.divf %broadcast_in_dim3A, %div3A_25 : vector<1x128xf32>
    %sub3A = vector.broadcast %div3A_26 : vector<1x128xf32> to vector<10000x128xf32>
    %sub3A_27 = arith.subf %add3A_17, %sub3A : vector<10000x128xf32>
    %integer_pow3A = arith.mulf %sub3A_27, %sub3A_27 : vector<10000x128xf32>
    %reduce_sum3A_28 = arith.constant dense<0.000000e+00> : vector<128xf32>
    %reduce_sum3A_29 = vector.multi_reduction <add>, %integer_pow3A, %reduce_sum3A_28 [0] : vector<10000x128xf32> to vector<128xf32>
    %broadcast_in_dim3A_30 = vector.shape_cast %reduce_sum3A_29 : vector<128xf32> to vector<1x128xf32>
    %div3A_31 = arith.constant 1.000000e+04 : f32
    %div3A_32 = vector.broadcast %div3A_31 : f32 to vector<1x128xf32>
    %div3A_33 = arith.divf %broadcast_in_dim3A_30, %div3A_32 : vector<1x128xf32>
    %sub3A_34 = vector.broadcast %div3A_26 : vector<1x128xf32> to vector<10000x128xf32>
    %sub3A_35 = arith.subf %add3A_17, %sub3A_34 : vector<10000x128xf32>
    %add3A_36 = arith.constant 9.99999974E-6 : f32
    %add3A_37 = vector.broadcast %add3A_36 : f32 to vector<1x128xf32>
    %add3A_38 = arith.addf %div3A_33, %add3A_37 : vector<1x128xf32>
    %rsqrt3A = math.rsqrt %add3A_38 : vector<1x128xf32>
    %mul3A = vector.broadcast %rsqrt3A : vector<1x128xf32> to vector<10000x128xf32>
    %mul3A_39 = arith.mulf %sub3A_35, %mul3A : vector<10000x128xf32>
    %mul3A_40 = vector.broadcast %get3A_20 : vector<1x128xf32> to vector<10000x128xf32>
    %mul3A_41 = arith.mulf %mul3A_39, %mul3A_40 : vector<10000x128xf32>
    %add3A_42 = vector.broadcast %get3A_23 : vector<1x128xf32> to vector<10000x128xf32>
    %add3A_43 = arith.addf %mul3A_41, %add3A_42 : vector<10000x128xf32>
    %max3A = arith.constant 0.000000e+00 : f32
    %max3A_44 = vector.broadcast %max3A : f32 to vector<10000x128xf32>
    %max3A_45 = arith.maximumf %add3A_43, %max3A_44 : vector<10000x128xf32>
    %get3A_46 = arith.constant 0 : index
    %get3A_47 = arith.constant 0 : index
    %get3A_48 = vector.load %arg7[%get3A_46, %get3A_47] : memref<128x128xf32, #tpu.memory_space<vmem>>, vector<128x128xf32>
    %dot_general3A_49 = arith.constant dense<0.000000e+00> : vector<10000x128xf32>
    %dot_general3A_50 = tpu.matmul %max3A_45, %get3A_48, %dot_general3A_49 {dimension_numbers = #tpu.dot_dimension_numbers<[1], [0], [0], [1], [0, 0, 1, 1], [], []>, transpose_lhs_hint = false} : vector<10000x128xf32>, vector<128x128xf32>, vector<10000x128xf32> -> vector<10000x128xf32>
    %get3A_51 = arith.constant 0 : index
    %get3A_52 = arith.constant 0 : index
    %get3A_53 = vector.load %arg8[%get3A_51, %get3A_52] : memref<1x128xf32, #tpu.memory_space<vmem>>, vector<1x128xf32>
    %add3A_54 = vector.broadcast %get3A_53 : vector<1x128xf32> to vector<10000x128xf32>
    %add3A_55 = arith.addf %dot_general3A_50, %add3A_54 : vector<10000x128xf32>
    %get3A_56 = arith.constant 0 : index
    %get3A_57 = arith.constant 0 : index
    %get3A_58 = vector.load %arg9[%get3A_56, %get3A_57] : memref<1x128xf32, #tpu.memory_space<vmem>>, vector<1x128xf32>
    %get3A_59 = arith.constant 0 : index
    %get3A_60 = arith.constant 0 : index
    %get3A_61 = vector.load %arg10[%get3A_59, %get3A_60] : memref<1x128xf32, #tpu.memory_space<vmem>>, vector<1x128xf32>
    %reduce_sum3A_62 = arith.constant dense<0.000000e+00> : vector<128xf32>
    %reduce_sum3A_63 = vector.multi_reduction <add>, %add3A_55, %reduce_sum3A_62 [0] : vector<10000x128xf32> to vector<128xf32>
    %broadcast_in_dim3A_64 = vector.shape_cast %reduce_sum3A_63 : vector<128xf32> to vector<1x128xf32>
    %div3A_65 = arith.constant 1.000000e+04 : f32
    %div3A_66 = vector.broadcast %div3A_65 : f32 to vector<1x128xf32>
    %div3A_67 = arith.divf %broadcast_in_dim3A_64, %div3A_66 : vector<1x128xf32>
    %sub3A_68 = vector.broadcast %div3A_67 : vector<1x128xf32> to vector<10000x128xf32>
    %sub3A_69 = arith.subf %add3A_55, %sub3A_68 : vector<10000x128xf32>
    %integer_pow3A_70 = arith.mulf %sub3A_69, %sub3A_69 : vector<10000x128xf32>
    %reduce_sum3A_71 = arith.constant dense<0.000000e+00> : vector<128xf32>
    %reduce_sum3A_72 = vector.multi_reduction <add>, %integer_pow3A_70, %reduce_sum3A_71 [0] : vector<10000x128xf32> to vector<128xf32>
    %broadcast_in_dim3A_73 = vector.shape_cast %reduce_sum3A_72 : vector<128xf32> to vector<1x128xf32>
    %div3A_74 = arith.constant 1.000000e+04 : f32
    %div3A_75 = vector.broadcast %div3A_74 : f32 to vector<1x128xf32>
    %div3A_76 = arith.divf %broadcast_in_dim3A_73, %div3A_75 : vector<1x128xf32>
    %sub3A_77 = vector.broadcast %div3A_67 : vector<1x128xf32> to vector<10000x128xf32>
    %sub3A_78 = arith.subf %add3A_55, %sub3A_77 : vector<10000x128xf32>
    %add3A_79 = arith.constant 9.99999974E-6 : f32
    %add3A_80 = vector.broadcast %add3A_79 : f32 to vector<1x128xf32>
    %add3A_81 = arith.addf %div3A_76, %add3A_80 : vector<1x128xf32>
    %rsqrt3A_82 = math.rsqrt %add3A_81 : vector<1x128xf32>
    %mul3A_83 = vector.broadcast %rsqrt3A_82 : vector<1x128xf32> to vector<10000x128xf32>
    %mul3A_84 = arith.mulf %sub3A_78, %mul3A_83 : vector<10000x128xf32>
    %mul3A_85 = vector.broadcast %get3A_58 : vector<1x128xf32> to vector<10000x128xf32>
    %mul3A_86 = arith.mulf %mul3A_84, %mul3A_85 : vector<10000x128xf32>
    %add3A_87 = vector.broadcast %get3A_61 : vector<1x128xf32> to vector<10000x128xf32>
    %add3A_88 = arith.addf %mul3A_86, %add3A_87 : vector<10000x128xf32>
    %max3A_89 = arith.constant 0.000000e+00 : f32
    %max3A_90 = vector.broadcast %max3A_89 : f32 to vector<10000x128xf32>
    %max3A_91 = arith.maximumf %add3A_88, %max3A_90 : vector<10000x128xf32>
    %get3A_92 = arith.constant 0 : index
    %get3A_93 = arith.constant 0 : index
    %get3A_94 = vector.load %arg11[%get3A_92, %get3A_93] : memref<10000x128xf32, #tpu.memory_space<vmem>>, vector<10000x128xf32>
    %get3A_95 = arith.constant 0 : index
    %get3A_96 = arith.constant 0 : index
    %get3A_97 = vector.load %arg12[%get3A_95, %get3A_96] : memref<128x32xf32, #tpu.memory_space<vmem>>, vector<128x32xf32>
    %dot_general3A_98 = arith.constant dense<0.000000e+00> : vector<10000x32xf32>
    %dot_general3A_99 = tpu.matmul %get3A_94, %get3A_97, %dot_general3A_98 {dimension_numbers = #tpu.dot_dimension_numbers<[1], [0], [0], [1], [0, 0, 1, 1], [], []>, transpose_lhs_hint = false} : vector<10000x128xf32>, vector<128x32xf32>, vector<10000x32xf32> -> vector<10000x32xf32>
    %get3A_100 = arith.constant 0 : index
    %get3A_101 = arith.constant 0 : index
    %get3A_102 = vector.load %arg0[%get3A_100, %get3A_101] : memref<10000x128xf32, #tpu.memory_space<vmem>>, vector<10000x128xf32>
    %get3A_103 = arith.constant 0 : index
    %get3A_104 = arith.constant 0 : index
    %get3A_105 = vector.load %arg13[%get3A_103, %get3A_104] : memref<128x32xf32, #tpu.memory_space<vmem>>, vector<128x32xf32>
    %dot_general3A_106 = arith.constant dense<0.000000e+00> : vector<10000x32xf32>
    %dot_general3A_107 = tpu.matmul %get3A_102, %get3A_105, %dot_general3A_106 {dimension_numbers = #tpu.dot_dimension_numbers<[1], [0], [0], [1], [0, 0, 1, 1], [], []>, transpose_lhs_hint = false} : vector<10000x128xf32>, vector<128x32xf32>, vector<10000x32xf32> -> vector<10000x32xf32>
    %add3A_108 = arith.addf %dot_general3A_99, %dot_general3A_107 : vector<10000x32xf32>
    %get3A_109 = arith.constant 0 : index
    %get3A_110 = arith.constant 0 : index
    %get3A_111 = vector.load %arg14[%get3A_109, %get3A_110] : memref<128x32xf32, #tpu.memory_space<vmem>>, vector<128x32xf32>
    %dot_general3A_112 = arith.constant dense<0.000000e+00> : vector<10000x32xf32>
    %dot_general3A_113 = tpu.matmul %max3A_91, %get3A_111, %dot_general3A_112 {dimension_numbers = #tpu.dot_dimension_numbers<[1], [0], [0], [1], [0, 0, 1, 1], [], []>, transpose_lhs_hint = false} : vector<10000x128xf32>, vector<128x32xf32>, vector<10000x32xf32> -> vector<10000x32xf32>
    %add3A_114 = arith.addf %add3A_108, %dot_general3A_113 : vector<10000x32xf32>
    %get3A_115 = arith.constant 0 : index
    %get3A_116 = arith.constant 0 : index
    %get3A_117 = vector.load %arg15[%get3A_115, %get3A_116] : memref<1x32xf32, #tpu.memory_space<vmem>>, vector<1x32xf32>
    %add3A_118 = vector.broadcast %get3A_117 : vector<1x32xf32> to vector<10000x32xf32>
    %add3A_119 = arith.addf %add3A_114, %add3A_118 : vector<10000x32xf32>
    %swap3A = arith.constant 0 : index
    %swap3A_120 = arith.constant 0 : index
    %swap3A_121 = vector.load %arg16[%swap3A, %swap3A_120] : memref<10000x32xf32, #tpu.memory_space<vmem>>, vector<10000x32xf32>
    tpu.vector_store %arg16[%swap3A, %swap3A_120], %add3A_119 {strides = array<i32>} : memref<10000x32xf32, #tpu.memory_space<vmem>>, vector<10000x32xf32>,
    return
  }
}

</mosaic_0001>

<sc_bundles>
// kernel: kernel.6.cloned.1.call-start
scs
__scs_entry_jumppad:
0x0: {  	(pc) =	sbr.rel $0x88, $3  }
0x1: {  	(tag) =	ssettag $0x0;
	lr =	simm.s32 $0x1  }
0x2: {  	[smem:$0x3F89] =	sst lr;
	_ =	strace $0xD0000000  }
0x3: {  	_ = 	snop  }
0x4: {  	_ = 	snop  }
0x5: {  	_ = 	snop  }
0x6: {  	_ = 	snop  }
0x7: {  	_ = 	snop  }
__scs_overlays_trampoline_lowered:
0x8: {  	[smem:$0x3F98] =	sst s0  }
0x9: {  	[smem:$0x3F99] =	sst s1  }
0xa: {  	[smem:$0x3F9A] =	sst s2  }
0xb: {  	[smem:$0x3F9B] =	sst s3  }
0xc: {  	[smem:$0x3F9C] =	sst s4  }
0xd: {  	[smem:$0x3F9D] =	sst s5  }
0xe: {  	[smem:$0x3F9E] =	sst s6  }
0xf: {  	[smem:$0x3F9F] =	sst s7  }
0x10: {  	[smem:$0x3FA0] =	sst s8  }
0x11: {  	[smem:$0x3FA1] =	sst s9;
	s0 =	simm.s32 @!p0 $0x0  }
0x12: {  	s1 =	sld [smem:$0x3F87];
	s0 =	simm.s32 @p0 $0x1  }
0x13: {  	[smem:$0x3FA2] =	sst s0;
	s0 =	simm.s32 @!p1 $0x0  }
0x14: {  	s2 =	sld [smem:$0x3F86];
	s0 =	simm.s32 @p1 $0x1  }
0x15: {  	[smem:$0x3FA3] =	sst s0;
	s0 =	simm.s32 @!p2 $0x0  }
0x16: {  	s3 =	sld [smem:$0x3FDB];
	s0 =	simm.s32 @p2 $0x1  }
0x17: {  	s4 =	simm.s32 $0x1BF5;
	[smem:$0x3FA5] =	sst s0  }
0x18: {  	s0 =	sld [smem:$0x3F88];
	_ =	swait.ge [sflag:s4], $0x0  }
0x19: {  	s7 =	sld [smem:$0x3F89]  }
0x1a: {  	s8 =	sadd.s32 $0xFFFFE003, lr  }
0x1b: {  	s9 =	sadd.s32 $0xFFFFFEF7, lr;
	s5 =	simm.s32 $0xFFFFFFFF;
	p2 =	slt.u32 s8, $0xFFFFF086  }
0x1c: {  	p1 =	slt.u32 s9, $0xF7A;
	s5 =	simm.s32 @!p2 $0x0  }
0x1d: {  	s5 =	simm.s32 @p1 $0x1;
	p0 =	seq.s32 s7, s2  }
0x1e: {  	s7 =	smul.u32 @!p0 $0xF7A, s2;
	p2 =	seq.s32 @!p0 s5, $0x0  }
0x1f: {  	s9 =	smul.u32 $0xF7A, s1;
	s8 =	simm.s32 @!p0 $0x1BF5;
	p2 =	por !p2, p0  }
0x20: {  	[sflag:s8] =	ssyncset.s32 @!p0 $0xFFFFF086;
	s6 =	sadd.s32 @!p0 s3, s7;
	s7 =	simm.s32 @!p0 $0x108  }
0x21: {  	s3 =	sadd.s32 s3, s9;
	s6 =	sadd.s32 @!p0 $0x88, s6;
	s7 =	simm.s32 @p2 $0x1082  }
0x22: {  	[simem:s7], [sflag:s8] =	dma.local @!p0 [hbm:s6], $0xF7A  }
0x23: {  	s9 =	sor.u32 $0xD0000000, s2;
	s6 =	simm.s32 $0x108;
	_ =	swait.ge @!p0 [sflag:s8], $0x0  }
0x24: {  	s3 =	sadd.s32 $0x88, s3;
	s6 =	simm.s32 @!p1 $0x1082;
	[sflag:s4] =	ssyncset.s32 $0xFFFFF086  }
0x25: {  	[simem:s6], [sflag:s4] =	dma.local [hbm:s3], $0xF7A  }
0x26: {  	[smem:$0x3F89] =	sst s1;
	(tag) =	ssettag s2;
	_ =	strace s9  }
0x27: {  	s1 =	sld [smem:$0x3F99]  }
0x28: {  	s2 =	sld [smem:$0x3F9A]  }
0x29: {  	s4 =	sld [smem:$0x3F9C]  }
0x2a: {  	p0 =	seq.s32 s5, $0x0;
	s5 =	sld [smem:$0x3F9D]  }
0x2b: {  	s6 =	sld [smem:$0x3F9E]  }
0x2c: {  	s7 =	sld [smem:$0x3F9F]  }
0x2d: {  	s3 =	simm.s32 $0x108;
	s8 =	sld [smem:$0x3FA0]  }
0x2e: {  	s3 =	simm.s32 @!p0 $0x1082;
	s9 =	sld [smem:$0x3FA1]  }
0x2f: {  	lr =	sadd.s32 s0, s3;
	s0 =	sld [smem:$0x3F98]  }
0x30: {  	s3 =	sld [smem:$0x3F9B]  }
0x31: {  	[smem:$0x3FA4] =	sst s10  }
0x32: {  	s10 =	sld [smem:$0x3FA2];
	_ =	sdelay $0x3  }
0x33: {  	p0 =	seq.s32 s10, $0x1;
	s10 =	sld [smem:$0x3FA4];
	_ =	sdelay $0x3  }
0x34: {  	[smem:$0x3FA4] =	sst s10  }
0x35: {  	s10 =	sld [smem:$0x3FA3];
	_ =	sdelay $0x3  }
0x36: {  	p1 =	seq.s32 s10, $0x1;
	s10 =	sld [smem:$0x3FA4];
	_ =	sdelay $0x3  }
0x37: {  	[smem:$0x3FA4] =	sst s10  }
0x38: {  	s10 =	sld [smem:$0x3FA5]  }
0x39: {  	_ = 	snop;
	(pc) =	sbr.ind lr, $3  }
0x3a: {  	_ = 	snop  }
0x3b: {  	_ = 	snop  }
0x3c: {  	p2 =	seq.s32 s10, $0x1;
	s10 =	sld [smem:$0x3FA4]  }
0x3d: {  	_ =	shalt  }
0x3e: {  	_ =	shalt  }
0x3f: {  	_ =	shalt  }
0x40: {  	_ =	shalt  }
0x41: {  	_ =	shalt  }
0x42: {  	_ =	shalt  }
0x43: {  	_ =	shalt  }
0x44: {  	_ =	shalt  }
0x45: {  	_ =	shalt  }
0x46: {  	_ =	shalt  }
0x47: {  	_ =	shalt  }
0x48: {  	_ =	shalt  }
0x49: {  	_ =	shalt  }
0x4a: {  	_ =	shalt  }
0x4b: {  	_ =	shalt  }
0x4c: {  	_ =	shalt  }
0x4d: {  	_ =	shalt  }
0x4e: {  	_ =	shalt  }
0x4f: {  	_ =	shalt  }
0x50: {  	_ =	shalt  }
0x51: {  	_ =	shalt  }
0x52: {  	_ =	shalt  }
0x53: {  	_ =	shalt  }
0x54: {  	_ =	shalt  }
0x55: {  	_ =	shalt  }
0x56: {  	_ =	shalt  }
0x57: {  	_ =	shalt  }
0x58: {  	_ =	shalt  }
0x59: {  	_ =	shalt  }
0x5a: {  	_ =	shalt  }
0x5b: {  	_ =	shalt  }
0x5c: {  	_ =	shalt  }
0x5d: {  	_ =	shalt  }
0x5e: {  	_ =	shalt  }
0x5f: {  	_ =	shalt  }
0x60: {  	_ =	shalt  }
0x61: {  	_ =	shalt  }
0x62: {  	_ =	shalt  }
0x63: {  	_ =	shalt  }
0x64: {  	_ =	shalt  }
0x65: {  	_ =	shalt  }
0x66: {  	_ =	shalt  }
0x67: {  	_ =	shalt  }
0x68: {  	_ =	shalt  }
0x69: {  	_ =	shalt  }
0x6a: {  	_ =	shalt  }
0x6b: {  	_ =	shalt  }
0x6c: {  	_ =	shalt  }
0x6d: {  	_ =	shalt  }
0x6e: {  	_ =	shalt  }
0x6f: {  	_ =	shalt  }
0x70: {  	_ =	shalt  }
0x71: {  	_ =	shalt  }
0x72: {  	_ =	shalt  }
0x73: {  	_ =	shalt  }
0x74: {  	_ =	shalt  }
0x75: {  	_ =	shalt  }
0x76: {  	_ =	shalt  }
0x77: {  	_ =	shalt  }
0x78: {  	_ =	shalt  }
0x79: {  	_ =	shalt  }
0x7a: {  	_ =	shalt  }
0x7b: {  	_ =	shalt  }
0x7c: {  	_ =	shalt  }
0x7d: {  	_ =	shalt  }
0x7e: {  	_ =	shalt  }
0x7f: {  	_ =	shalt  }
0x80: {  	_ =	shalt  }
0x81: {  	_ =	shalt  }
0x82: {  	_ =	shalt  }
0x83: {  	_ =	shalt  }
0x84: {  	_ =	shalt  }
0x85: {  	_ =	shalt  }
0x86: {  	_ =	shalt  }
0x87: {  	_ =	shalt  }
.Lfunc_end0:
.L_simem_size_0:
called_computation_lowered:
.L_overlay_start_0:
0x88: {  	s2 =	sld [smem:$0x3FD9]  }
0x89: {  	s3 =	sld [smem:$0x3FFE];
	_ =	sdelay $0x1  }
0x8a: {  	s1 =	srdreg.scid  }
0x8b: {  	s0 =	sand.u32 $0x1, s1  }
0x8c: {  	s17 =	sshll.u32 s0, $0xA;
	s2 =	sadd.s32 s3, s2  }
0x8d: {  	s2 =	sadd.s32 s2, s17  }
0x8e: {  	[smem:$0x3FB0] =	sst s2  }
0x8f: {  	_ = 	snop  }
0x90: {  	s2 =	sld [smem:$0x3FC9];
	(tm) =	ssettm $0x1  }
0x91: {  	s18 =	sld [smem:$0x3FFB];
	_ =	sdelay $0x3  }
0x92: {  	_ =	strace s18  }
0x93: {  	s3 =	sld [smem:$0x3FFC];
	_ =	sdelay $0x3  }
0x94: {  	_ =	strace s3  }
0x95: {  	s3 =	sld [smem:$0x3FFD];
	_ =	sdelay $0x3  }
0x96: {  	_ =	strace s3  }
0x97: {  	_ =	strace $0x8FFFFFFF  }
0x98: {  	s19 =	sld [smem:$0x3FDB];
	_ =	sdelay $0x1  }
0x99: {  	s4 =	simm.s32 $_scs_section_size  }
0x9a: {  	s5 =	simm.s32 $_size__tile_overlayer_lowered;
	s6 =	simm.s32 $_tile_overlayer_lowered  }
0x9b: {  	s22 =	simm.s32 $0x1BFF;
	s21 =	sshll.u32 s6, $0x1;
	s3 =	sadd.s32 s4, s19  }
0x9c: {  	s7 =	simm.s32 $0x0;
	s20 =	sshll.u32 s5, $0x1;
	s5 =	sadd.s32 s21, s3  }
0x9d: {  	[timem:s7], [sflag:s22] =	dma.local [hbm:s5], s20  }
0x9e: {  	_ =	swait.ge [sflag:s22], s20  }
0x9f: {  	s4 =	ssub.s32 $0x0, s20;
	[sflag:s22] =	ssyncset.done $0x0  }
0xa0: {  	[sflag:s22] =	ssyncadd.s32 s4;
	_ =	sdelay $0x1  }
0xa1: {  	s23 =	simm.s32 $0x1B8B  }
0xa2: {  	_ =	swait.ge [sflag:s23], $0x1  }
0xa3: {  	[sflag:s23] =	ssyncset.done $0x0  }
0xa4: {  	s25 =	simm.s32 $0x1B8E;
	s24 =	sld [smem:$0x3FFE];
	[sflag:s23] =	ssyncadd.s32 $0xFFFFFFFF  }
0xa5: {  	s26 =	simm.s32 $execute0_lowered;
	[smem:$0x3FD2] =	sst s25  }
0xa6: {  	s5 =	sshll.u32 s26, $0x1;
	_ =	strace $0x80000046;
	[dreg:$0x1] =	wrdreg $0xFFFFFFFF  }
0xa7: {  	s28 =	simm.s32 $_size_execute0_lowered;
	s3 =	sadd.s32 s3, s5;
	[dreg:$0x0] =	wrdreg $0x0  }
0xa8: {  	s5 =	sshll.u32 s28, $0x1;
	[dreg:$0x2] =	wrdreg s3  }
0xa9: {  	[dreg:$0x3] =	wrdreg s5  }
0xaa: {  	[dreg:$0x4] =	wrdreg $0xC0  }
0xab: {  	_ =	task [dreg:s7], $0x5FFFF  }
0xac: {  	[dreg:$0x1] =	wrdreg $0xFFFFFFFF  }
0xad: {  	[dreg:$0x0] =	wrdreg $0x60  }
0xae: {  	[dreg:$0x2] =	wrdreg s2  }
0xaf: {  	[dreg:$0x3] =	wrdreg s24  }
0xb0: {  	[dreg:$0x4] =	wrdreg $0xA8000  }
0xb1: {  	[dreg:$0x5] =	wrdreg $0x9  }
0xb2: {  	_ =	task.clear_ibuf [dreg:s7], $0x6FFFF;
	_ =	strace $0x90000046  }
0xb3: {  	s29 =	simm.s32 $0x9;
	_ =	strace $0x80000048  }
0xb4: {  	_ =	swait.ge [sflag:s29], $0x1  }
0xb5: {  	[sflag:s29] =	ssyncadd.s32 $0xFFFFFFFF  }
0xb6: {  	_ =	strace $0x90000048  }
0xb7: {  	_ =	sfence  }
0xb8: {  	s30 =	sld [smem:$0x0];
	_ =	sdelay $0x2  }
0xb9: {  	s31 =	sshll.u32 s1, $0xD;
	s1 =	sshrl.u32 s1, $0x2  }
0xba: {  	s3 =	sand.u32 $0x4000, s31;
	s1 =	sadd.s32 s1, s30  }
0xbb: {  	s0 =	sor.u32 s3, s0;
	s1 =	sshll.u32 s1, $0x11  }
0xbc: {  	s0 =	sor.u32 s1, s0  }
0xbd: {  	s0 =	sadd.s32 $0x8F2B, s0  }
0xbe: {  	[sflag:s0] =	ssyncadd.remote.s32 $0x1  }
0xbf: {  	_ =	sfence.sel $0xFFFF  }
0xc0: {  	[dreg:$0x0] =	wrdreg $0xFFFFFFFF;
	(pc) =	sbr.abs _section_cstart, $3  }
0xc1: {  	[dreg:$0x1] =	wrdreg $0xFFFFFFFF  }
0xc2: {  	_ =	task.clear_ibuf [dreg:s7], $0x2FFFF;
	_ =	strace $0x9FFFFFFF  }
0xc3: {  	(tm) =	ssettm $0x7FFFFFFF  }
tec
execute0_lowered:
.L_overlay_start_1:
0x0: {  	(tag) =	ssettag $0x1  }
0x1: {  	s1 =	rddreg [dreg:$0x0]  }
0x2: {  	s5 =	rddreg [dreg:$0x1]  }
0x3: {  	s0 =	srdreg.scid;
	s3 =	rddreg [dreg:$0x2]  }
0x4: {  	s2 =	rddreg [dreg:$0x3];
	s7 =	sand.u32 $0x1, s0  }
0x5: {  	s4 =	simm.s32 $0x0;
	s0 =	stileid.u32;
	s6 =	smul.u32 $0x68000, s7  }
0x6: {  	s21 =	simm.s32 $0x1;
	s22 =	simm.s32 $0x0;
	s8 =	smul.u32 $0x6800, s0  }
0x7: {  	[smem:$0x7FF] =	sst s4;
	s16 =	sadd.s32 $0x1DC00, s5;
	s9 =	smul.u32 $0x50000, s0  }
0x8: {  	_ =	strace $0x80000047;
	s29 =	ssub.s32 $0x2, s7;
	s10 =	smul.u32 $0x14000, s0  }
0x9: {  	p0 =	seq.s32 s7, $0x0;
	s18 =	smul.u32 $0x140000, s7;
	s30 =	sshrl.u32 s29, $0x1  }
0xa: {  	s6 =	sadd.s32 s8, s6;
	s17 =	ssub.s32 s29, s30;
	s31 =	sshrl.u32 s9, $0x2  }
0xb: {  	s12 =	sadd.s32 $0x4000, s10;
	s14 =	sadd.s32 $0x8000, s10;
	s15 =	sadd.s32 $0xC000, s10  }
0xc: {  	s19 =	sadd.s32 $0x10000, s10;
	s13 =	sadd.s32 s10, s18;
	s6 =	sshrl.u32 s6, $0x3  }
0xd: {  	s7 =	sadd.s32 s12, s3;
	s8 =	sadd.s32 s14, s3;
	s9 =	sadd.s32 s15, s3  }
0xe: {  	s12 =	sadd.s32 s18, s12;
	s10 =	sadd.s32 s19, s3;
	s13 =	sshrl.u32 s13, $0x3  }
0xf: {  	s14 =	sadd.s32 s18, s14;
	s15 =	sadd.s32 s18, s15;
	s18 =	sadd.s32 s18, s19  }
0x10: {  	s17 =	smax.u32 s17, $0x1;
	s19 =	simm.s32 $0x2;
	s11 =	sadd.s32 s6, s5  }
0x11: {  	s5 =	simm.s32 $0x61;
	s6 =	sadd.s32 s31, s3;
	s20 =	sshrl.u32 s12, $0x3  }
0x12: {  	s12 =	sadd.s32 s16, s13;
	s14 =	sshrl.u32 s14, $0x3;
	s15 =	sshrl.u32 s15, $0x3  }
0x13: {  	s18 =	sshrl.u32 s18, $0x3;
	s5 =	simm.s32 @!p0 $0x3C;
	s11 =	sadd.s32 $0x3C00, s11  }
0x14: {  	s13 =	sadd.s32 s16, s20;
	s14 =	sadd.s32 s16, s14;
	s15 =	sadd.s32 s16, s15  }
0x15: {  	v0 =	vimm.f32 $0.0e+00;
	s16 =	sadd.s32 s16, s18;
	s18 =	simm.s32 $0x6800;
	s20 =	simm.s32 $0x80  }
.LBB2_1:
0x16: {  	s23 =	simm.s32 $0x0;
	s24 =	simm.s32 $0x200  }
.LBB2_2:
0x17: {  	p0 =	sne.s32 s24, $0xFE00;
	[tilespmem:s23+$0x6870] =	vst v0  }
0x18: {  	[tilespmem:s23+$0x6800] =	vst v0  }
0x19: {  	[tilespmem:s23+$0x6810] =	vst v0  }
.Ltmp0:
0x1a: {  	[tilespmem:s23+$0x6820] =	vst v0;
	(pc) =	sbr.rel @p0 .LBB2_2-.Ltmp0, $4  }
0x1b: {  	[tilespmem:s23+$0x6830] =	vst v0  }
0x1c: {  	[tilespmem:s23+$0x6840] =	vst v0  }
0x1d: {  	[tilespmem:s23+$0x6850] =	vst v0  }
0x1e: {  	[tilespmem:s23+$0x6860] =	vst v0;
	s23 =	sshra.s32 s24, $0x2;
	s24 =	sadd.s32 $0x200, s24  }
0x1f: {  	[tilespmem:s23+$0x6870] =	vst v0  }
0x20: {  	[tilespmem:s23+$0x6800] =	vst v0  }
0x21: {  	[tilespmem:s23+$0x6810] =	vst v0  }
0x22: {  	[tilespmem:s23+$0x6820] =	vst v0  }
0x23: {  	[tilespmem:s23+$0x6830] =	vst v0  }
0x24: {  	[tilespmem:s23+$0x6840] =	vst v0  }
0x25: {  	[tilespmem:s23+$0x6850] =	vst v0  }
0x26: {  	[tilespmem:s23+$0x6860] =	vst v0  }
0x27: {  	[spmem:s6] =	stream.linear.scatter [tilespmem:s18], [sflag:$0x2], $0x4000, $0x38;
	[tilespmem:$0x1E800] =	vst v63  }
0x28: {  	_ =	swait.ge [sflag:s19], $0x4000  }
0x29: {  	[sflag:s19] =	ssyncset.done $0x0  }
0x2a: {  	[sflag:s19] =	ssyncadd.s32 $0xFFFFC000  }
0x2b: {  	[spmem:s7] =	stream.linear.scatter [tilespmem:s18], [sflag:$0x2], $0x4000, $0x38;
	[tilespmem:$0x1E800] =	vst v63  }
0x2c: {  	_ =	swait.ge [sflag:s19], $0x4000  }
0x2d: {  	[sflag:s19] =	ssyncset.done $0x0  }
0x2e: {  	[sflag:s19] =	ssyncadd.s32 $0xFFFFC000  }
0x2f: {  	[spmem:s8] =	stream.linear.scatter [tilespmem:s18], [sflag:$0x2], $0x4000, $0x38;
	[tilespmem:$0x1E800] =	vst v63  }
0x30: {  	_ =	swait.ge [sflag:s19], $0x4000  }
0x31: {  	[sflag:s19] =	ssyncset.done $0x0  }
0x32: {  	[sflag:s19] =	ssyncadd.s32 $0xFFFFC000  }
0x33: {  	[spmem:s9] =	stream.linear.scatter [tilespmem:s18], [sflag:$0x2], $0x4000, $0x38;
	[tilespmem:$0x1E800] =	vst v63  }
0x34: {  	_ =	swait.ge [sflag:s19], $0x4000  }
0x35: {  	[sflag:s19] =	ssyncset.done $0x0  }
0x36: {  	[sflag:s19] =	ssyncadd.s32 $0xFFFFC000  }
0x37: {  	[spmem:s10] =	stream.linear.scatter [tilespmem:s18], [sflag:$0x2], $0x4000, $0x38;
	[tilespmem:$0x1E800] =	vst v63  }
0x38: {  	_ =	swait.ge [sflag:s19], $0x4000  }
0x39: {  	[sflag:s19] =	ssyncset.done $0x0  }
0x3a: {  	[sflag:s19] =	ssyncadd.s32 $0xFFFFC000  }
0x3b: {  	[bflag:$0x0] =	sbarrier.arrive $0xFFFF  }
0x3c: {  	[tilespmem:s4], [sflag:$0x2] =	stream.linear.gather [hbm4b:s11+s4], $0x3080, $0x38;
	[tilespmem:$0x1E800] =	vst v63  }
0x3d: {  	s24 =	sadd.s32 $0x680, s11;
	s23 =	simm.s32 $0x3400  }
0x3e: {  	[tilespmem:s23], [sflag:$0x2] =	stream.linear.gather [hbm4b:s24+s4], $0x3080, $0x38;
	[tilespmem:$0x1E800] =	vst v63  }
0x3f: {  	_ =	swait.ge [sflag:s19], $0x6100  }
0x40: {  	[sflag:s19] =	ssyncset.done $0x0  }
0x41: {  	[sflag:s19] =	ssyncadd.s32 $0xFFFF9F00  }
0x42: {  	[tilespmem:s18], [sflag:$0x1] =	stream.indirect.gather [hbm4b:s1+s20], $0x80, s23, s20, $0xb8;
	[tilespmem:$0x1E800] =	vst v63  }
0x43: {  	p0 =	sne.s32 s5, $0x1;
	_ =	swait.ge [sflag:s21], $0x4000  }
.Ltmp1:
0x44: {  	[sflag:s21] =	ssyncset.done $0x0;
	(pc) =	sbr.rel @!p0 .LBB2_5-.Ltmp1, $4  }
0x45: {  	s31 =	simm.s32 $0x0;
	[sflag:s21] =	ssyncadd.s32 $0xFFFFC000  }
0x46: {  	[spmem:s3] =	stream.indirect.scatter.add.f32 [tilespmem:s18], [sflag:$0x2], $0x80, s31, s20, $0xb8;
	[tilespmem:$0x1E800] =	vst v63  }
0x47: {  	_ =	swait.ge [sflag:s19], $0x4000  }
0x48: {  	s24 =	sadd.s32 $0xFFFFFFFF, s5;
	[sflag:s19] =	ssyncset.done $0x0  }
.LBB2_4:
0x49: {  	p0 =	sne.s32 s24, $0x1;
	[sflag:s19] =	ssyncadd.s32 $0xFFFFC000;
	s23 =	sadd.s32 $0x80, s23  }
0x4a: {  	[tilespmem:s18], [sflag:$0x1] =	stream.indirect.gather [hbm4b:s1+s20], $0x80, s23, s20, $0xb8;
	[tilespmem:$0x1E800] =	vst v63  }
0x4b: {  	s24 =	sadd.s32 $0xFFFFFFFF, s24;
	_ =	swait.ge [sflag:s21], $0x4000  }
.Ltmp2:
0x4c: {  	[sflag:s21] =	ssyncset.done $0x0;
	(pc) =	sbr.rel @p0 .LBB2_4-.Ltmp2, $4  }
0x4d: {  	s25 =	sadd.s32 $0xFFFFCC00, s23;
	[sflag:s21] =	ssyncadd.s32 $0xFFFFC000  }
0x4e: {  	[spmem:s3] =	stream.indirect.scatter.add.f32 [tilespmem:s18], [sflag:$0x2], $0x80, s25, s20, $0xb8;
	[tilespmem:$0x1E800] =	vst v63  }
0x4f: {  	_ =	swait.ge [sflag:s19], $0x4000  }
0x50: {  	[sflag:s19] =	ssyncset.done $0x0  }
.LBB2_5:
0x51: {  	[sflag:s19] =	ssyncadd.s32 $0xFFFFC000  }
0x52: {  	[bflag:$0x0] =	sbarrier.arrive $0xFFFF  }
0x53: {  	[tilespmem:s18], [sflag:$0x2] =	stream.linear.gather [spmem:s6], $0x4000, $0x38;
	[tilespmem:$0x1E800] =	vst v63  }
0x54: {  	_ =	swait.ge [sflag:s19], $0x4000  }
0x55: {  	[sflag:s19] =	ssyncset.done $0x0  }
0x56: {  	[sflag:s19] =	ssyncadd.s32 $0xFFFFC000  }
0x57: {  	[hbm4b:s12+s4] =	stream.linear.scatter [tilespmem:s18], [sflag:$0x2], $0x4000, $0x38;
	[tilespmem:$0x1E800] =	vst v63  }
0x58: {  	_ =	swait.ge [sflag:s19], $0x4000  }
0x59: {  	[sflag:s19] =	ssyncset.done $0x0  }
0x5a: {  	[sflag:s19] =	ssyncadd.s32 $0xFFFFC000  }
0x5b: {  	[tilespmem:s18], [sflag:$0x2] =	stream.linear.gather [spmem:s7], $0x4000, $0x38;
	[tilespmem:$0x1E800] =	vst v63  }
0x5c: {  	_ =	swait.ge [sflag:s19], $0x4000  }
0x5d: {  	[sflag:s19] =	ssyncset.done $0x0  }
0x5e: {  	[sflag:s19] =	ssyncadd.s32 $0xFFFFC000  }
0x5f: {  	[hbm4b:s13+s4] =	stream.linear.scatter [tilespmem:s18], [sflag:$0x2], $0x4000, $0x38;
	[tilespmem:$0x1E800] =	vst v63  }
0x60: {  	_ =	swait.ge [sflag:s19], $0x4000  }
0x61: {  	[sflag:s19] =	ssyncset.done $0x0  }
0x62: {  	[sflag:s19] =	ssyncadd.s32 $0xFFFFC000  }
0x63: {  	[tilespmem:s18], [sflag:$0x2] =	stream.linear.gather [spmem:s8], $0x4000, $0x38;
	[tilespmem:$0x1E800] =	vst v63  }
0x64: {  	_ =	swait.ge [sflag:s19], $0x4000  }
0x65: {  	[sflag:s19] =	ssyncset.done $0x0  }
0x66: {  	[sflag:s19] =	ssyncadd.s32 $0xFFFFC000  }
0x67: {  	[hbm4b:s14+s4] =	stream.linear.scatter [tilespmem:s18], [sflag:$0x2], $0x4000, $0x38;
	[tilespmem:$0x1E800] =	vst v63  }
0x68: {  	_ =	swait.ge [sflag:s19], $0x4000  }
0x69: {  	[sflag:s19] =	ssyncset.done $0x0  }
0x6a: {  	[sflag:s19] =	ssyncadd.s32 $0xFFFFC000  }
0x6b: {  	[tilespmem:s18], [sflag:$0x2] =	stream.linear.gather [spmem:s9], $0x4000, $0x38;
	[tilespmem:$0x1E800] =	vst v63  }
0x6c: {  	_ =	swait.ge [sflag:s19], $0x4000  }
0x6d: {  	[sflag:s19] =	ssyncset.done $0x0  }
0x6e: {  	[sflag:s19] =	ssyncadd.s32 $0xFFFFC000  }
0x6f: {  	[hbm4b:s15+s4] =	stream.linear.scatter [tilespmem:s18], [sflag:$0x2], $0x4000, $0x38;
	[tilespmem:$0x1E800] =	vst v63  }
0x70: {  	_ =	swait.ge [sflag:s19], $0x4000  }
0x71: {  	[sflag:s19] =	ssyncset.done $0x0  }
0x72: {  	[sflag:s19] =	ssyncadd.s32 $0xFFFFC000  }
0x73: {  	[tilespmem:s18], [sflag:$0x2] =	stream.linear.gather [spmem:s10], $0x4000, $0x38;
	[tilespmem:$0x1E800] =	vst v63  }
0x74: {  	s22 =	sadd.s32 $0x1, s22;
	_ =	swait.ge [sflag:s19], $0x4000  }
0x75: {  	p0 =	sne.s32 s22, s17;
	[sflag:s19] =	ssyncset.done $0x0  }
.Ltmp3:
0x76: {  	[sflag:s19] =	ssyncadd.s32 $0xFFFFC000;
	(pc) =	sbr.rel @p0 .LBB2_1-.Ltmp3, $4  }
0x77: {  	[hbm4b:s16+s4] =	stream.linear.scatter [tilespmem:s18], [sflag:$0x2], $0x4000, $0x38;
	[tilespmem:$0x1E800] =	vst v63  }
0x78: {  	_ =	swait.ge [sflag:s19], $0x4000  }
0x79: {  	[sflag:s19] =	ssyncset.done $0x0  }
0x7a: {  	[sflag:s19] =	ssyncadd.s32 $0xFFFFC000  }
0x7b: {  	_ =	sfence.sel $0x180000  }
0x7c: {  	[bflag:$0x0] =	sbarrier.arrive $0xFFFF  }
0x7d: {  	p0 =	sne.s32 s0, $0x0;
	_ =	strace $0x90000047  }
0x7e: {  	s0 =	sadd.s32 @!p0 $0x100000, s2;
	[bflag:$0x2] =	sbarrier.arrive $0xFFFF  }
0x7f: {  	[sflag:s0] =	ssyncadd.tile.s32 @!p0 $0x1;
	_ =	shalt  }
.Lfunc_end2:
_tile_overlayer_lowered:
.L_overlay_start_2:
0x80: {  	(tag) =	ssettag $0x2  }
0x81: {  	s0 =	rddreg [dreg:$0x0];
	s2 =	stileid.u32  }
0x82: {  	s1 =	rddreg [dreg:$0x1];
	p0 =	sne.s32 s2, $0x0  }
0x83: {  	s3 =	rddreg [dreg:$0x2];
	[bflag:$0x3] =	sbarrier.arrive $0xFFFF;
	s2 =	simm.s32 @!p0 $0x1C02  }
0x84: {  	[timem:s3], [sflag:s2] =	dma.local @!p0 [hbm:s0], s1  }
0x85: {  	s0 =	simm.s32 @!p0 $0x2  }
0x86: {  	_ =	swait.ge @!p0 [sflag:s0], s1  }
0x87: {  	s1 =	ssub.s32 @!p0 $0x0, s1;
	[sflag:s0] =	ssyncset.done @!p0 $0x0  }
0x88: {  	[sflag:s0] =	ssyncadd.s32 @!p0 s1  }
0x89: {  	[bflag:$0x3] =	sbarrier.arrive $0xFFFF  }
0x8a: {  	_ =	shalt  }

// kernel: kernel.9.cloned.1.call-start
scs
__scs_entry_jumppad:
0x0: {  	(pc) =	sbr.rel $0x88, $3  }
0x1: {  	(tag) =	ssettag $0x0;
	lr =	simm.s32 $0x1  }
0x2: {  	[smem:$0x3F89] =	sst lr;
	_ =	strace $0xD0000000  }
0x3: {  	_ = 	snop  }
0x4: {  	_ = 	snop  }
0x5: {  	_ = 	snop  }
0x6: {  	_ = 	snop  }
0x7: {  	_ = 	snop  }
__scs_overlays_trampoline_lowered:
0x8: {  	[smem:$0x3F98] =	sst s0  }
0x9: {  	[smem:$0x3F99] =	sst s1  }
0xa: {  	[smem:$0x3F9A] =	sst s2  }
0xb: {  	[smem:$0x3F9B] =	sst s3  }
0xc: {  	[smem:$0x3F9C] =	sst s4  }
0xd: {  	[smem:$0x3F9D] =	sst s5  }
0xe: {  	[smem:$0x3F9E] =	sst s6  }
0xf: {  	[smem:$0x3F9F] =	sst s7  }
0x10: {  	[smem:$0x3FA0] =	sst s8  }
0x11: {  	[smem:$0x3FA1] =	sst s9;
	s0 =	simm.s32 @!p0 $0x0  }
0x12: {  	s1 =	sld [smem:$0x3F87];
	s0 =	simm.s32 @p0 $0x1  }
0x13: {  	[smem:$0x3FA2] =	sst s0;
	s0 =	simm.s32 @!p1 $0x0  }
0x14: {  	s2 =	sld [smem:$0x3F86];
	s0 =	simm.s32 @p1 $0x1  }
0x15: {  	[smem:$0x3FA3] =	sst s0;
	s0 =	simm.s32 @!p2 $0x0  }
0x16: {  	s3 =	sld [smem:$0x3FDB];
	s0 =	simm.s32 @p2 $0x1  }
0x17: {  	s4 =	simm.s32 $0x1BF5;
	[smem:$0x3FA5] =	sst s0  }
0x18: {  	s0 =	sld [smem:$0x3F88];
	_ =	swait.ge [sflag:s4], $0x0  }
0x19: {  	s7 =	sld [smem:$0x3F89]  }
0x1a: {  	s8 =	sadd.s32 $0xFFFFE003, lr  }
0x1b: {  	s9 =	sadd.s32 $0xFFFFFEF7, lr;
	s5 =	simm.s32 $0xFFFFFFFF;
	p2 =	slt.u32 s8, $0xFFFFF086  }
0x1c: {  	p1 =	slt.u32 s9, $0xF7A;
	s5 =	simm.s32 @!p2 $0x0  }
0x1d: {  	s5 =	simm.s32 @p1 $0x1;
	p0 =	seq.s32 s7, s2  }
0x1e: {  	s7 =	smul.u32 @!p0 $0xF7A, s2;
	p2 =	seq.s32 @!p0 s5, $0x0  }
0x1f: {  	s9 =	smul.u32 $0xF7A, s1;
	s8 =	simm.s32 @!p0 $0x1BF5;
	p2 =	por !p2, p0  }
0x20: {  	[sflag:s8] =	ssyncset.s32 @!p0 $0xFFFFF086;
	s6 =	sadd.s32 @!p0 s3, s7;
	s7 =	simm.s32 @!p0 $0x108  }
0x21: {  	s3 =	sadd.s32 s3, s9;
	s6 =	sadd.s32 @!p0 $0x88, s6;
	s7 =	simm.s32 @p2 $0x1082  }
0x22: {  	[simem:s7], [sflag:s8] =	dma.local @!p0 [hbm:s6], $0xF7A  }
0x23: {  	s9 =	sor.u32 $0xD0000000, s2;
	s6 =	simm.s32 $0x108;
	_ =	swait.ge @!p0 [sflag:s8], $0x0  }
0x24: {  	s3 =	sadd.s32 $0x88, s3;
	s6 =	simm.s32 @!p1 $0x1082;
	[sflag:s4] =	ssyncset.s32 $0xFFFFF086  }
0x25: {  	[simem:s6], [sflag:s4] =	dma.local [hbm:s3], $0xF7A  }
0x26: {  	[smem:$0x3F89] =	sst s1;
	(tag) =	ssettag s2;
	_ =	strace s9  }
0x27: {  	s1 =	sld [smem:$0x3F99]  }
0x28: {  	s2 =	sld [smem:$0x3F9A]  }
0x29: {  	s4 =	sld [smem:$0x3F9C]  }
0x2a: {  	p0 =	seq.s32 s5, $0x0;
	s5 =	sld [smem:$0x3F9D]  }
0x2b: {  	s6 =	sld [smem:$0x3F9E]  }
0x2c: {  	s7 =	sld [smem:$0x3F9F]  }
0x2d: {  	s3 =	simm.s32 $0x108;
	s8 =	sld [smem:$0x3FA0]  }
0x2e: {  	s3 =	simm.s32 @!p0 $0x1082;
	s9 =	sld [smem:$0x3FA1]  }
0x2f: {  	lr =	sadd.s32 s0, s3;
	s0 =	sld [smem:$0x3F98]  }
0x30: {  	s3 =	sld [smem:$0x3F9B]  }
0x31: {  	[smem:$0x3FA4] =	sst s10  }
0x32: {  	s10 =	sld [smem:$0x3FA2];
	_ =	sdelay $0x3  }
0x33: {  	p0 =	seq.s32 s10, $0x1;
	s10 =	sld [smem:$0x3FA4];
	_ =	sdelay $0x3  }
0x34: {  	[smem:$0x3FA4] =	sst s10  }
0x35: {  	s10 =	sld [smem:$0x3FA3];
	_ =	sdelay $0x3  }
0x36: {  	p1 =	seq.s32 s10, $0x1;
	s10 =	sld [smem:$0x3FA4];
	_ =	sdelay $0x3  }
0x37: {  	[smem:$0x3FA4] =	sst s10  }
0x38: {  	s10 =	sld [smem:$0x3FA5]  }
0x39: {  	_ = 	snop;
	(pc) =	sbr.ind lr, $3  }
0x3a: {  	_ = 	snop  }
0x3b: {  	_ = 	snop  }
0x3c: {  	p2 =	seq.s32 s10, $0x1;
	s10 =	sld [smem:$0x3FA4]  }
0x3d: {  	_ =	shalt  }
0x3e: {  	_ =	shalt  }
0x3f: {  	_ =	shalt  }
0x40: {  	_ =	shalt  }
0x41: {  	_ =	shalt  }
0x42: {  	_ =	shalt  }
0x43: {  	_ =	shalt  }
0x44: {  	_ =	shalt  }
0x45: {  	_ =	shalt  }
0x46: {  	_ =	shalt  }
0x47: {  	_ =	shalt  }
0x48: {  	_ =	shalt  }
0x49: {  	_ =	shalt  }
0x4a: {  	_ =	shalt  }
0x4b: {  	_ =	shalt  }
0x4c: {  	_ =	shalt  }
0x4d: {  	_ =	shalt  }
0x4e: {  	_ =	shalt  }
0x4f: {  	_ =	shalt  }
0x50: {  	_ =	shalt  }
0x51: {  	_ =	shalt  }
0x52: {  	_ =	shalt  }
0x53: {  	_ =	shalt  }
0x54: {  	_ =	shalt  }
0x55: {  	_ =	shalt  }
0x56: {  	_ =	shalt  }
0x57: {  	_ =	shalt  }
0x58: {  	_ =	shalt  }
0x59: {  	_ =	shalt  }
0x5a: {  	_ =	shalt  }
0x5b: {  	_ =	shalt  }
0x5c: {  	_ =	shalt  }
0x5d: {  	_ =	shalt  }
0x5e: {  	_ =	shalt  }
0x5f: {  	_ =	shalt  }
0x60: {  	_ =	shalt  }
0x61: {  	_ =	shalt  }
0x62: {  	_ =	shalt  }
0x63: {  	_ =	shalt  }
0x64: {  	_ =	shalt  }
0x65: {  	_ =	shalt  }
0x66: {  	_ =	shalt  }
0x67: {  	_ =	shalt  }
0x68: {  	_ =	shalt  }
0x69: {  	_ =	shalt  }
0x6a: {  	_ =	shalt  }
0x6b: {  	_ =	shalt  }
0x6c: {  	_ =	shalt  }
0x6d: {  	_ =	shalt  }
0x6e: {  	_ =	shalt  }
0x6f: {  	_ =	shalt  }
0x70: {  	_ =	shalt  }
0x71: {  	_ =	shalt  }
0x72: {  	_ =	shalt  }
0x73: {  	_ =	shalt  }
0x74: {  	_ =	shalt  }
0x75: {  	_ =	shalt  }
0x76: {  	_ =	shalt  }
0x77: {  	_ =	shalt  }
0x78: {  	_ =	shalt  }
0x79: {  	_ =	shalt  }
0x7a: {  	_ =	shalt  }
0x7b: {  	_ =	shalt  }
0x7c: {  	_ =	shalt  }
0x7d: {  	_ =	shalt  }
0x7e: {  	_ =	shalt  }
0x7f: {  	_ =	shalt  }
0x80: {  	_ =	shalt  }
0x81: {  	_ =	shalt  }
0x82: {  	_ =	shalt  }
0x83: {  	_ =	shalt  }
0x84: {  	_ =	shalt  }
0x85: {  	_ =	shalt  }
0x86: {  	_ =	shalt  }
0x87: {  	_ =	shalt  }
.Lfunc_end0:
.L_simem_size_0:
called_computation.1_lowered:
.L_overlay_start_0:
0x88: {  	s2 =	sld [smem:$0x3FD9]  }
0x89: {  	s3 =	sld [smem:$0x3FFE];
	_ =	sdelay $0x1  }
0x8a: {  	s1 =	srdreg.scid  }
0x8b: {  	s0 =	sand.u32 $0x1, s1  }
0x8c: {  	s16 =	sshll.u32 s0, $0xA;
	s2 =	sadd.s32 s3, s2  }
0x8d: {  	s2 =	sadd.s32 s2, s16  }
0x8e: {  	[smem:$0x3FB0] =	sst s2  }
0x8f: {  	_ = 	snop  }
0x90: {  	(tm) =	ssettm $0x1  }
0x91: {  	s17 =	sld [smem:$0x3FFB];
	_ =	sdelay $0x3  }
0x92: {  	_ =	strace s17  }
0x93: {  	s2 =	sld [smem:$0x3FFC];
	_ =	sdelay $0x3  }
0x94: {  	_ =	strace s2  }
0x95: {  	s2 =	sld [smem:$0x3FFD];
	_ =	sdelay $0x3  }
0x96: {  	_ =	strace s2  }
0x97: {  	_ =	strace $0x8FFFFFFF  }
0x98: {  	s18 =	sld [smem:$0x3FDB];
	_ =	sdelay $0x1  }
0x99: {  	s19 =	simm.s32 $_scs_section_size  }
0x9a: {  	s4 =	simm.s32 $_size__tile_overlayer_lowered;
	s5 =	simm.s32 $_tile_overlayer_lowered  }
0x9b: {  	s22 =	simm.s32 $0x1BFF;
	s21 =	sshll.u32 s5, $0x1;
	s2 =	sadd.s32 s19, s18  }
0x9c: {  	s6 =	simm.s32 $0x0;
	s20 =	sshll.u32 s4, $0x1;
	s4 =	sadd.s32 s21, s2  }
0x9d: {  	[timem:s6], [sflag:s22] =	dma.local [hbm:s4], s20  }
0x9e: {  	_ =	swait.ge [sflag:s22], s20  }
0x9f: {  	s3 =	ssub.s32 $0x0, s20;
	[sflag:s22] =	ssyncset.done $0x0  }
0xa0: {  	[sflag:s22] =	ssyncadd.s32 s3;
	_ =	sdelay $0x1  }
0xa1: {  	s23 =	simm.s32 $0x1B8B  }
0xa2: {  	_ =	swait.ge [sflag:s23], $0x1  }
0xa3: {  	[sflag:s23] =	ssyncset.done $0x0  }
0xa4: {  	s25 =	simm.s32 $0x1B8E;
	s24 =	sld [smem:$0x3FFE];
	[sflag:s23] =	ssyncadd.s32 $0xFFFFFFFF  }
0xa5: {  	s26 =	simm.s32 $execute0_lowered;
	[smem:$0x3FD2] =	sst s25  }
0xa6: {  	s4 =	sshll.u32 s26, $0x1;
	_ =	strace $0x80000049;
	[dreg:$0x1] =	wrdreg $0xFFFFFFFF  }
0xa7: {  	s28 =	simm.s32 $_size_execute0_lowered;
	s2 =	sadd.s32 s2, s4;
	[dreg:$0x0] =	wrdreg $0x0  }
0xa8: {  	s4 =	sshll.u32 s28, $0x1;
	[dreg:$0x2] =	wrdreg s2  }
0xa9: {  	[dreg:$0x3] =	wrdreg s4  }
0xaa: {  	[dreg:$0x4] =	wrdreg $0xC0  }
0xab: {  	_ =	task [dreg:s6], $0x5FFFF  }
0xac: {  	[dreg:$0x1] =	wrdreg $0xFFFFFFFF  }
0xad: {  	[dreg:$0x0] =	wrdreg $0x60  }
0xae: {  	[dreg:$0x2] =	wrdreg s24  }
0xaf: {  	[dreg:$0x3] =	wrdreg $0xA8000  }
0xb0: {  	[dreg:$0x4] =	wrdreg $0x9  }
0xb1: {  	_ =	task.clear_ibuf [dreg:s6], $0x5FFFF;
	_ =	strace $0x90000049  }
0xb2: {  	s29 =	simm.s32 $0x9;
	_ =	strace $0x8000004B  }
0xb3: {  	_ =	swait.ge [sflag:s29], $0x1  }
0xb4: {  	[sflag:s29] =	ssyncadd.s32 $0xFFFFFFFF  }
0xb5: {  	_ =	strace $0x9000004B  }
0xb6: {  	_ =	sfence  }
0xb7: {  	s30 =	sld [smem:$0x0];
	_ =	sdelay $0x2  }
0xb8: {  	s31 =	sshll.u32 s1, $0xD;
	s1 =	sshrl.u32 s1, $0x2  }
0xb9: {  	s3 =	sand.u32 $0x4000, s31;
	s1 =	sadd.s32 s1, s30  }
0xba: {  	s0 =	sor.u32 s3, s0;
	s1 =	sshll.u32 s1, $0x11  }
0xbb: {  	s0 =	sor.u32 s1, s0  }
0xbc: {  	s0 =	sadd.s32 $0x8F2B, s0  }
0xbd: {  	[sflag:s0] =	ssyncadd.remote.s32 $0x1  }
0xbe: {  	_ =	sfence.sel $0xFFFF  }
0xbf: {  	[dreg:$0x0] =	wrdreg $0xFFFFFFFF;
	(pc) =	sbr.abs _section_cstart, $3  }
0xc0: {  	[dreg:$0x1] =	wrdreg $0xFFFFFFFF  }
0xc1: {  	_ =	task.clear_ibuf [dreg:s6], $0x2FFFF;
	_ =	strace $0x9FFFFFFF  }
0xc2: {  	(tm) =	ssettm $0x7FFFFFFF  }
0xc3: {  	_ =	shalt  }
tec
execute0_lowered:
.L_overlay_start_1:
0x0: {  	(tag) =	ssettag $0x1  }
0x1: {  	s5 =	rddreg [dreg:$0x0]  }
0x2: {  	s0 =	srdreg.scid;
	s1 =	stileid.u32  }
0x3: {  	s2 =	rddreg [dreg:$0x1];
	s3 =	simm.s32 $0x0;
	s6 =	smul.u32 $0x6800, s1  }
0x4: {  	s21 =	simm.s32 $0x1;
	s22 =	simm.s32 $0x0;
	s9 =	smul.u32 $0x50000, s1  }
0x5: {  	s7 =	sand.u32 $0x1, s0;
	s0 =	rddreg [dreg:$0x2];
	s10 =	smul.u32 $0x14000, s1  }
0x6: {  	[smem:$0x7FF] =	sst s3;
	s16 =	sadd.s32 $0x44E00, s5;
	s4 =	smul.u32 $0x68000, s7  }
0x7: {  	_ =	strace $0x8000004A;
	s8 =	ssub.s32 $0x2, s7;
	p0 =	seq.s32 s7, $0x0  }
0x8: {  	s18 =	smul.u32 $0x140000, s7;
	s30 =	sshrl.u32 s8, $0x1;
	s31 =	sshrl.u32 s9, $0x2  }
0x9: {  	s12 =	sadd.s32 $0x4000, s10;
	s14 =	sadd.s32 $0x8000, s10;
	s15 =	sadd.s32 $0xC000, s10  }
0xa: {  	s19 =	sadd.s32 $0x10000, s10;
	s6 =	sadd.s32 s6, s4;
	s4 =	sadd.s32 $0x1DC00, s5  }
0xb: {  	s17 =	ssub.s32 s8, s30;
	s7 =	sadd.s32 s12, s2;
	s8 =	sadd.s32 s14, s2  }
0xc: {  	s9 =	sadd.s32 s15, s2;
	s13 =	sadd.s32 s10, s18;
	s12 =	sadd.s32 s18, s12  }
0xd: {  	s10 =	sadd.s32 s19, s2;
	s14 =	sadd.s32 s18, s14;
	s15 =	sadd.s32 s18, s15  }
0xe: {  	s18 =	sadd.s32 s18, s19;
	s19 =	simm.s32 $0x2;
	s6 =	sshrl.u32 s6, $0x3  }
0xf: {  	s13 =	sshrl.u32 s13, $0x3;
	s20 =	sshrl.u32 s12, $0x3;
	s14 =	sshrl.u32 s14, $0x3  }
0x10: {  	s15 =	sshrl.u32 s15, $0x3;
	s18 =	sshrl.u32 s18, $0x3;
	s17 =	smax.u32 s17, $0x1  }
0x11: {  	s11 =	sadd.s32 s6, s5;
	s5 =	simm.s32 $0x61;
	s6 =	sadd.s32 s31, s2  }
0x12: {  	s12 =	sadd.s32 s16, s13;
	s13 =	sadd.s32 s16, s20;
	s14 =	sadd.s32 s16, s14  }
0x13: {  	s15 =	sadd.s32 s16, s15;
	s16 =	sadd.s32 s16, s18;
	s18 =	simm.s32 $0x6800  }
0x14: {  	v0 =	vimm.f32 $0.0e+00;
	s20 =	simm.s32 $0x80;
	s5 =	simm.s32 @!p0 $0x3C;
	s11 =	sadd.s32 $0x3C00, s11  }
.LBB2_1:
0x15: {  	s23 =	simm.s32 $0x0;
	s24 =	simm.s32 $0x200  }
.LBB2_2:
0x16: {  	p0 =	sne.s32 s24, $0xFE00;
	[tilespmem:s23+$0x6870] =	vst v0  }
0x17: {  	[tilespmem:s23+$0x6800] =	vst v0  }
0x18: {  	[tilespmem:s23+$0x6810] =	vst v0  }
.Ltmp0:
0x19: {  	[tilespmem:s23+$0x6820] =	vst v0;
	(pc) =	sbr.rel @p0 .LBB2_2-.Ltmp0, $4  }
0x1a: {  	[tilespmem:s23+$0x6830] =	vst v0  }
0x1b: {  	[tilespmem:s23+$0x6840] =	vst v0  }
0x1c: {  	[tilespmem:s23+$0x6850] =	vst v0  }
0x1d: {  	[tilespmem:s23+$0x6860] =	vst v0;
	s23 =	sshra.s32 s24, $0x2;
	s24 =	sadd.s32 $0x200, s24  }
0x1e: {  	[tilespmem:s23+$0x6870] =	vst v0  }
0x1f: {  	[tilespmem:s23+$0x6800] =	vst v0  }
0x20: {  	[tilespmem:s23+$0x6810] =	vst v0  }
0x21: {  	[tilespmem:s23+$0x6820] =	vst v0  }
0x22: {  	[tilespmem:s23+$0x6830] =	vst v0  }
0x23: {  	[tilespmem:s23+$0x6840] =	vst v0  }
0x24: {  	[tilespmem:s23+$0x6850] =	vst v0  }
0x25: {  	[tilespmem:s23+$0x6860] =	vst v0  }
0x26: {  	[spmem:s6] =	stream.linear.scatter [tilespmem:s18], [sflag:$0x2], $0x4000, $0x38;
	[tilespmem:$0x1E800] =	vst v63  }
0x27: {  	_ =	swait.ge [sflag:s19], $0x4000  }
0x28: {  	[sflag:s19] =	ssyncset.done $0x0  }
0x29: {  	[sflag:s19] =	ssyncadd.s32 $0xFFFFC000  }
0x2a: {  	[spmem:s7] =	stream.linear.scatter [tilespmem:s18], [sflag:$0x2], $0x4000, $0x38;
	[tilespmem:$0x1E800] =	vst v63  }
0x2b: {  	_ =	swait.ge [sflag:s19], $0x4000  }
0x2c: {  	[sflag:s19] =	ssyncset.done $0x0  }
0x2d: {  	[sflag:s19] =	ssyncadd.s32 $0xFFFFC000  }
0x2e: {  	[spmem:s8] =	stream.linear.scatter [tilespmem:s18], [sflag:$0x2], $0x4000, $0x38;
	[tilespmem:$0x1E800] =	vst v63  }
0x2f: {  	_ =	swait.ge [sflag:s19], $0x4000  }
0x30: {  	[sflag:s19] =	ssyncset.done $0x0  }
0x31: {  	[sflag:s19] =	ssyncadd.s32 $0xFFFFC000  }
0x32: {  	[spmem:s9] =	stream.linear.scatter [tilespmem:s18], [sflag:$0x2], $0x4000, $0x38;
	[tilespmem:$0x1E800] =	vst v63  }
0x33: {  	_ =	swait.ge [sflag:s19], $0x4000  }
0x34: {  	[sflag:s19] =	ssyncset.done $0x0  }
0x35: {  	[sflag:s19] =	ssyncadd.s32 $0xFFFFC000  }
0x36: {  	[spmem:s10] =	stream.linear.scatter [tilespmem:s18], [sflag:$0x2], $0x4000, $0x38;
	[tilespmem:$0x1E800] =	vst v63  }
0x37: {  	_ =	swait.ge [sflag:s19], $0x4000  }
0x38: {  	[sflag:s19] =	ssyncset.done $0x0  }
0x39: {  	[sflag:s19] =	ssyncadd.s32 $0xFFFFC000  }
0x3a: {  	[bflag:$0x0] =	sbarrier.arrive $0xFFFF  }
0x3b: {  	[tilespmem:s3], [sflag:$0x2] =	stream.linear.gather [hbm4b:s11+s3], $0x3080, $0x38;
	[tilespmem:$0x1E800] =	vst v63  }
0x3c: {  	s24 =	sadd.s32 $0x680, s11;
	s23 =	simm.s32 $0x3400  }
0x3d: {  	[tilespmem:s23], [sflag:$0x2] =	stream.linear.gather [hbm4b:s24+s3], $0x3080, $0x38;
	[tilespmem:$0x1E800] =	vst v63  }
0x3e: {  	_ =	swait.ge [sflag:s19], $0x6100  }
0x3f: {  	[sflag:s19] =	ssyncset.done $0x0  }
0x40: {  	[sflag:s19] =	ssyncadd.s32 $0xFFFF9F00  }
0x41: {  	[tilespmem:s18], [sflag:$0x1] =	stream.indirect.gather [hbm4b:s4+s20], $0x80, s23, s20, $0xb8;
	[tilespmem:$0x1E800] =	vst v63  }
0x42: {  	p0 =	sne.s32 s5, $0x1;
	_ =	swait.ge [sflag:s21], $0x4000  }
.Ltmp1:
0x43: {  	[sflag:s21] =	ssyncset.done $0x0;
	(pc) =	sbr.rel @!p0 .LBB2_5-.Ltmp1, $4  }
0x44: {  	s31 =	simm.s32 $0x0;
	[sflag:s21] =	ssyncadd.s32 $0xFFFFC000  }
0x45: {  	[spmem:s2] =	stream.indirect.scatter.add.f32 [tilespmem:s18], [sflag:$0x2], $0x80, s31, s20, $0xb8;
	[tilespmem:$0x1E800] =	vst v63  }
0x46: {  	_ =	swait.ge [sflag:s19], $0x4000  }
0x47: {  	s24 =	sadd.s32 $0xFFFFFFFF, s5;
	[sflag:s19] =	ssyncset.done $0x0  }
.LBB2_4:
0x48: {  	p0 =	sne.s32 s24, $0x1;
	[sflag:s19] =	ssyncadd.s32 $0xFFFFC000;
	s23 =	sadd.s32 $0x80, s23  }
0x49: {  	[tilespmem:s18], [sflag:$0x1] =	stream.indirect.gather [hbm4b:s4+s20], $0x80, s23, s20, $0xb8;
	[tilespmem:$0x1E800] =	vst v63  }
0x4a: {  	s24 =	sadd.s32 $0xFFFFFFFF, s24;
	_ =	swait.ge [sflag:s21], $0x4000  }
.Ltmp2:
0x4b: {  	[sflag:s21] =	ssyncset.done $0x0;
	(pc) =	sbr.rel @p0 .LBB2_4-.Ltmp2, $4  }
0x4c: {  	s25 =	sadd.s32 $0xFFFFCC00, s23;
	[sflag:s21] =	ssyncadd.s32 $0xFFFFC000  }
0x4d: {  	[spmem:s2] =	stream.indirect.scatter.add.f32 [tilespmem:s18], [sflag:$0x2], $0x80, s25, s20, $0xb8;
	[tilespmem:$0x1E800] =	vst v63  }
0x4e: {  	_ =	swait.ge [sflag:s19], $0x4000  }
0x4f: {  	[sflag:s19] =	ssyncset.done $0x0  }
.LBB2_5:
0x50: {  	[sflag:s19] =	ssyncadd.s32 $0xFFFFC000  }
0x51: {  	[bflag:$0x0] =	sbarrier.arrive $0xFFFF  }
0x52: {  	[tilespmem:s18], [sflag:$0x2] =	stream.linear.gather [spmem:s6], $0x4000, $0x38;
	[tilespmem:$0x1E800] =	vst v63  }
0x53: {  	_ =	swait.ge [sflag:s19], $0x4000  }
0x54: {  	[sflag:s19] =	ssyncset.done $0x0  }
0x55: {  	[sflag:s19] =	ssyncadd.s32 $0xFFFFC000  }
0x56: {  	[hbm4b:s12+s3] =	stream.linear.scatter [tilespmem:s18], [sflag:$0x2], $0x4000, $0x38;
	[tilespmem:$0x1E800] =	vst v63  }
0x57: {  	_ =	swait.ge [sflag:s19], $0x4000  }
0x58: {  	[sflag:s19] =	ssyncset.done $0x0  }
0x59: {  	[sflag:s19] =	ssyncadd.s32 $0xFFFFC000  }
0x5a: {  	[tilespmem:s18], [sflag:$0x2] =	stream.linear.gather [spmem:s7], $0x4000, $0x38;
	[tilespmem:$0x1E800] =	vst v63  }
0x5b: {  	_ =	swait.ge [sflag:s19], $0x4000  }
0x5c: {  	[sflag:s19] =	ssyncset.done $0x0  }
0x5d: {  	[sflag:s19] =	ssyncadd.s32 $0xFFFFC000  }
0x5e: {  	[hbm4b:s13+s3] =	stream.linear.scatter [tilespmem:s18], [sflag:$0x2], $0x4000, $0x38;
	[tilespmem:$0x1E800] =	vst v63  }
0x5f: {  	_ =	swait.ge [sflag:s19], $0x4000  }
0x60: {  	[sflag:s19] =	ssyncset.done $0x0  }
0x61: {  	[sflag:s19] =	ssyncadd.s32 $0xFFFFC000  }
0x62: {  	[tilespmem:s18], [sflag:$0x2] =	stream.linear.gather [spmem:s8], $0x4000, $0x38;
	[tilespmem:$0x1E800] =	vst v63  }
0x63: {  	_ =	swait.ge [sflag:s19], $0x4000  }
0x64: {  	[sflag:s19] =	ssyncset.done $0x0  }
0x65: {  	[sflag:s19] =	ssyncadd.s32 $0xFFFFC000  }
0x66: {  	[hbm4b:s14+s3] =	stream.linear.scatter [tilespmem:s18], [sflag:$0x2], $0x4000, $0x38;
	[tilespmem:$0x1E800] =	vst v63  }
0x67: {  	_ =	swait.ge [sflag:s19], $0x4000  }
0x68: {  	[sflag:s19] =	ssyncset.done $0x0  }
0x69: {  	[sflag:s19] =	ssyncadd.s32 $0xFFFFC000  }
0x6a: {  	[tilespmem:s18], [sflag:$0x2] =	stream.linear.gather [spmem:s9], $0x4000, $0x38;
	[tilespmem:$0x1E800] =	vst v63  }
0x6b: {  	_ =	swait.ge [sflag:s19], $0x4000  }
0x6c: {  	[sflag:s19] =	ssyncset.done $0x0  }
0x6d: {  	[sflag:s19] =	ssyncadd.s32 $0xFFFFC000  }
0x6e: {  	[hbm4b:s15+s3] =	stream.linear.scatter [tilespmem:s18], [sflag:$0x2], $0x4000, $0x38;
	[tilespmem:$0x1E800] =	vst v63  }
0x6f: {  	_ =	swait.ge [sflag:s19], $0x4000  }
0x70: {  	[sflag:s19] =	ssyncset.done $0x0  }
0x71: {  	[sflag:s19] =	ssyncadd.s32 $0xFFFFC000  }
0x72: {  	[tilespmem:s18], [sflag:$0x2] =	stream.linear.gather [spmem:s10], $0x4000, $0x38;
	[tilespmem:$0x1E800] =	vst v63  }
0x73: {  	s22 =	sadd.s32 $0x1, s22;
	_ =	swait.ge [sflag:s19], $0x4000  }
0x74: {  	p0 =	sne.s32 s22, s17;
	[sflag:s19] =	ssyncset.done $0x0  }
.Ltmp3:
0x75: {  	[sflag:s19] =	ssyncadd.s32 $0xFFFFC000;
	(pc) =	sbr.rel @p0 .LBB2_1-.Ltmp3, $4  }
0x76: {  	[hbm4b:s16+s3] =	stream.linear.scatter [tilespmem:s18], [sflag:$0x2], $0x4000, $0x38;
	[tilespmem:$0x1E800] =	vst v63  }
0x77: {  	_ =	swait.ge [sflag:s19], $0x4000  }
0x78: {  	[sflag:s19] =	ssyncset.done $0x0  }
0x79: {  	[sflag:s19] =	ssyncadd.s32 $0xFFFFC000  }
0x7a: {  	_ =	sfence.sel $0x180000  }
0x7b: {  	[bflag:$0x0] =	sbarrier.arrive $0xFFFF  }
0x7c: {  	p0 =	sne.s32 s1, $0x0;
	_ =	strace $0x9000004A  }
0x7d: {  	s0 =	sadd.s32 @!p0 $0x100000, s0;
	[bflag:$0x2] =	sbarrier.arrive $0xFFFF  }
0x7e: {  	[sflag:s0] =	ssyncadd.tile.s32 @!p0 $0x1;
	_ =	shalt  }
.Lfunc_end2:
_tile_overlayer_lowered:
.L_overlay_start_2:
0x7f: {  	(tag) =	ssettag $0x2  }
0x80: {  	s0 =	rddreg [dreg:$0x0];
	s2 =	stileid.u32  }
0x81: {  	s1 =	rddreg [dreg:$0x1];
	p0 =	sne.s32 s2, $0x0  }
0x82: {  	s3 =	rddreg [dreg:$0x2];
	[bflag:$0x3] =	sbarrier.arrive $0xFFFF;
	s2 =	simm.s32 @!p0 $0x1C02  }
0x83: {  	[timem:s3], [sflag:s2] =	dma.local @!p0 [hbm:s0], s1  }
0x84: {  	s0 =	simm.s32 @!p0 $0x2  }
0x85: {  	_ =	swait.ge @!p0 [sflag:s0], s1  }
0x86: {  	s1 =	ssub.s32 @!p0 $0x0, s1;
	[sflag:s0] =	ssyncset.done @!p0 $0x0  }
0x87: {  	[sflag:s0] =	ssyncadd.s32 @!p0 s1  }
0x88: {  	[bflag:$0x3] =	sbarrier.arrive $0xFFFF  }
0x89: {  	_ =	shalt  }

</sc_bundles>
